<compile_context>
chip_gen: v7x
topology: tpu7x:2x2x1
jax: 0.10.2.dev20260603
libtpu: 0.0.44.dev20260713+nightly
codegen_flags: <defaults>
</compile_context>

<pallas_src>
import functools

import jax
import jax.numpy as jnp
from jax import lax
from jax.experimental import pallas as pl
from jax.experimental.pallas import tpu as pltpu
from jax.experimental.pallas import tpu_sc as plsc

VOCAB = 1000000
EMBED_DIM = 32
BATCH = 4096
SEQ = 200

NC = 2
NS = 16
NW = NC * NS

BT = BATCH // NW
DT = EMBED_DIM // 8

_mesh = plsc.VectorSubcoreMesh(
    core_axis_name="c", subcore_axis_name="s", num_cores=NC, num_subcores=NS
)


@functools.partial(
    pl.kernel,
    out_type=jax.ShapeDtypeStruct((SEQ, DT, NW, 8, BT), jnp.float32),
    mesh=_mesh,
    scratch_types=[
        pltpu.VMEM((SEQ, BT), jnp.int32),
        [pltpu.VMEM((BT, 4 * EMBED_DIM), jnp.float32) for _ in range(4)],
        [pltpu.VMEM((DT, 8, BT), jnp.float32) for _ in range(2)],
        [pltpu.SemaphoreType.DMA for _ in range(4)],
        [pltpu.SemaphoreType.DMA for _ in range(2)],
    ],
    compiler_params=pltpu.CompilerParams(
        use_tc_tiling_on_sc=False, needs_layout_passes=False
    ),
)
def _embed_sc(idx_hbm, table_hbm, out_hbm, idx_v, rows, tiles, semg, semo):
    wid = lax.axis_index("s") * NC + lax.axis_index("c")
    pltpu.sync_copy(idx_hbm.at[wid], idx_v)

    def fire_gather(s, rows, sem):
        pltpu.async_copy(table_hbm.at[idx_v.at[s]], rows, sem)

    def drain_gather(rows, sem):
        pltpu.make_async_copy(table_hbm.at[pl.ds(0, BT)], rows, sem).wait()

    def drain_out(tile, sem):
        pltpu.make_async_copy(out_hbm.at[0, :, 0], tile, sem).wait()

    lane = lax.iota(jnp.int32, 16)
    cvecs = [lane + jnp.full((16,), 16 * k, jnp.int32) for k in range(BT // 16)]

    def transpose(rows, tile):
        @plsc.parallel_loop(0, EMBED_DIM, unroll=4)
        def _(d):
            dvec = jnp.full((16,), 1, jnp.int32) * d
            dt = lax.shift_right_logical(d, 3)
            dl = lax.bitwise_and(d, 7)
            for k in range(BT // 16):
                tile[dt, dl, pl.ds(k * 16, 16)] = plsc.load_gather(
                    rows, [cvecs[k], dvec]
                )

    NB = 4
    for j in range(NB - 1):
        fire_gather(j, rows[j], semg[j])

    @pl.loop(0, SEQ, step=NB)
    def _ring(s):
        for b in range(NB):
            cur = s + b
            nb = (b + NB - 1) % NB

            @pl.when(cur + NB - 1 < SEQ)
            def _():
                fire_gather(cur + NB - 1, rows[nb], semg[nb])

            drain_gather(rows[b], semg[b])
            tl = tiles[b % 2]
            so = semo[b % 2]

            @pl.when(cur >= 2)
            def _():
                drain_out(tl, so)

            transpose(rows[b], tl)
            pltpu.async_copy(tl, out_hbm.at[cur, :, wid], so)

    drain_out(tiles[0], semo[0])
    drain_out(tiles[1], semo[1])


def kernel(x, table):
    idx = x.astype(jnp.int32).reshape(NW, BT, SEQ).transpose(0, 2, 1)
    t128 = jnp.pad(table, ((0, 0), (0, 96)))
    out5 = _embed_sc(idx, t128)
    return out5.transpose(2, 4, 0, 1, 3).reshape(BATCH, SEQ, EMBED_DIM)

# --- scband reference (transcript-rebuilt; emitter-appended) ---
"""Pipeline reference for scband-embedding-15985868276084 (READ-ONLY COPY).

The authoritative reference and input builder live on the scoring server;
editing this copy changes nothing except your own understanding.
"""

import jax, jax.numpy as jnp
import numpy as np

VOCAB = 1000000
EMBED_DIM = 32
BATCH = 4096
SEQ = 200

def setup_inputs(seed: int = 0) -> dict:
    key = jax.random.key(seed)
    k_idx, k_tab = jax.random.split(key)
    x = jax.random.randint(k_idx, (BATCH, SEQ), 0, VOCAB, dtype=jnp.int64 if jax.config.jax_enable_x64 else jnp.int32)
    # keras default 'uniform' initializer: U(-0.05, 0.05)
    table = jax.random.uniform(k_tab, (VOCAB, EMBED_DIM), dtype=jnp.float32, minval=-0.05, maxval=0.05)
    return {"x": x, "table": table}

def reference(x, table):
    # Embedding lookup: (batch, seq) -> (batch, seq, embed_dim)
    return jnp.take(table, x, axis=0)

if __name__ == "__main__":
    import jax
    _d = setup_inputs()
    print(jax.jit(kernel)(*tuple(_d.values())))

</pallas_src>

<mosaic_0001>
#map = affine_map<(d0, d1) -> (0, 0, 0)>
#map1 = affine_map<(d0, d1) -> (0, 0)>
#map2 = affine_map<(d0, d1) -> (0, 0, 0, 0, 0)>
module attributes {stable_mosaic.version = 14 : i64} {
  func.func @_embed_sc(%arg0: i32, %arg1: i32, %arg2: memref<32x200x128xi32, #tpu.memory_space<hbm>>, %arg3: memref<1000000x128xf32, #tpu.memory_space<hbm>>, %arg4: memref<200x4x32x8x128xf32, #tpu.memory_space<hbm>>, %arg5: memref<200x128xi32, #tpu.memory_space<vmem>>, %arg6: memref<128x128xf32, #tpu.memory_space<vmem>>, %arg7: memref<128x128xf32, #tpu.memory_space<vmem>>, %arg8: memref<128x128xf32, #tpu.memory_space<vmem>>, %arg9: memref<128x128xf32, #tpu.memory_space<vmem>>, %arg10: memref<4x8x128xf32, #tpu.memory_space<vmem>>, %arg11: memref<4x8x128xf32, #tpu.memory_space<vmem>>, %arg12: memref<!tpu.dma_semaphore, #tpu.memory_space<semaphore_mem>>, %arg13: memref<!tpu.dma_semaphore, #tpu.memory_space<semaphore_mem>>, %arg14: memref<!tpu.dma_semaphore, #tpu.memory_space<semaphore_mem>>, %arg15: memref<!tpu.dma_semaphore, #tpu.memory_space<semaphore_mem>>, %arg16: memref<!tpu.dma_semaphore, #tpu.memory_space<semaphore_mem>>, %arg17: memref<!tpu.dma_semaphore, #tpu.memory_space<semaphore_mem>>) attributes {dimension_semantics = [#tpu.dimension_semantics<core_parallel>, #tpu.dimension_semantics<subcore_parallel>], iteration_bounds = array<i64: 2, 16>, scalar_prefetch = 0 : i64, scratch_operands = 13 : i64, tpu.core_type = #tpu.core_type<sc_vector_subcore>, window_params = [{transform_indices = #map}, {transform_indices = #map1}, {transform_indices = #map2}]} {
    %mul3A = arith.constant 2 : i32
    %mul3A_0 = arith.muli %arg1, %mul3A : i32
    %add3A = arith.addi %mul3A_0, %arg0 : i32
    "tpu.region"() ({
      %run_scoped3A = tpu.sem_alloc : memref<!tpu.dma_semaphore, #tpu.memory_space<semaphore_mem>>
      %dma_start3A_71 = arith.constant 0 : i32
      %dma_start3A_72 = arith.constant 0 : i32
      %dma_start3A_73 = tpu.memref_slice %arg2[%add3A, %dma_start3A_71, %dma_start3A_72] : memref<32x200x128xi32, #tpu.memory_space<hbm>> -> memref<1x200x128xi32, #tpu.memory_space<hbm>>
      %dma_start3A_74 = tpu.memref_squeeze %dma_start3A_73 : memref<1x200x128xi32, #tpu.memory_space<hbm>> -> memref<200x128xi32, #tpu.memory_space<hbm>>
      %dma_start3A_75 = arith.constant 0 : i32
      %dma_start3A_76 = arith.constant 0 : i32
      %dma_start3A_77 = tpu.memref_slice %arg2[%add3A, %dma_start3A_75, %dma_start3A_76] : memref<32x200x128xi32, #tpu.memory_space<hbm>> -> memref<1x200x128xi32, #tpu.memory_space<hbm>>
      %dma_start3A_78 = tpu.memref_squeeze %dma_start3A_77 : memref<1x200x128xi32, #tpu.memory_space<hbm>> -> memref<200x128xi32, #tpu.memory_space<hbm>>
      tpu.enqueue_dma source(%dma_start3A_78 : memref<200x128xi32, #tpu.memory_space<hbm>>) target(%arg5 : memref<200x128xi32, #tpu.memory_space<vmem>>) target_semaphore(%run_scoped3A : memref<!tpu.dma_semaphore, #tpu.memory_space<semaphore_mem>>)
      %dma_wait3A_79 = arith.constant 0 : i32
      %dma_wait3A_80 = arith.constant 0 : i32
      %dma_wait3A_81 = tpu.memref_slice %arg2[%add3A, %dma_wait3A_79, %dma_wait3A_80] : memref<32x200x128xi32, #tpu.memory_space<hbm>> -> memref<1x200x128xi32, #tpu.memory_space<hbm>>
      %dma_wait3A_82 = tpu.memref_squeeze %dma_wait3A_81 : memref<1x200x128xi32, #tpu.memory_space<hbm>> -> memref<200x128xi32, #tpu.memory_space<hbm>>
      %dma_wait3A_83 = arith.constant 0 : i32
      %dma_wait3A_84 = arith.constant 0 : i32
      %dma_wait3A_85 = tpu.memref_slice %arg2[%add3A, %dma_wait3A_83, %dma_wait3A_84] : memref<32x200x128xi32, #tpu.memory_space<hbm>> -> memref<1x200x128xi32, #tpu.memory_space<hbm>>
      %dma_wait3A_86 = tpu.memref_squeeze %dma_wait3A_85 : memref<1x200x128xi32, #tpu.memory_space<hbm>> -> memref<200x128xi32, #tpu.memory_space<hbm>>
      tpu.wait_dma2 semaphore(%run_scoped3A : memref<!tpu.dma_semaphore, #tpu.memory_space<semaphore_mem>>) src(%dma_wait3A_86 : memref<200x128xi32, #tpu.memory_space<hbm>>) dst(%arg5 : memref<200x128xi32, #tpu.memory_space<vmem>>)
      tpu.yield
    }) : () -> ()
    %iota3A = tpu.iota {dimensions = array<i32: 0>} : vector<16xi32>
    %broadcast_in_dim3A = arith.constant 0 : i32
    %broadcast_in_dim3A_1 = vector.broadcast %broadcast_in_dim3A : i32 to vector<16xi32>
    %add3A_2 = arith.addi %iota3A, %broadcast_in_dim3A_1 : vector<16xi32>
    %broadcast_in_dim3A_3 = arith.constant 16 : i32
    %broadcast_in_dim3A_4 = vector.broadcast %broadcast_in_dim3A_3 : i32 to vector<16xi32>
    %add3A_5 = arith.addi %iota3A, %broadcast_in_dim3A_4 : vector<16xi32>
    %broadcast_in_dim3A_6 = arith.constant 32 : i32
    %broadcast_in_dim3A_7 = vector.broadcast %broadcast_in_dim3A_6 : i32 to vector<16xi32>
    %add3A_8 = arith.addi %iota3A, %broadcast_in_dim3A_7 : vector<16xi32>
    %broadcast_in_dim3A_9 = arith.constant 48 : i32
    %broadcast_in_dim3A_10 = vector.broadcast %broadcast_in_dim3A_9 : i32 to vector<16xi32>
    %add3A_11 = arith.addi %iota3A, %broadcast_in_dim3A_10 : vector<16xi32>
    %broadcast_in_dim3A_12 = arith.constant 64 : i32
    %broadcast_in_dim3A_13 = vector.broadcast %broadcast_in_dim3A_12 : i32 to vector<16xi32>
    %add3A_14 = arith.addi %iota3A, %broadcast_in_dim3A_13 : vector<16xi32>
    %broadcast_in_dim3A_15 = arith.constant 80 : i32
    %broadcast_in_dim3A_16 = vector.broadcast %broadcast_in_dim3A_15 : i32 to vector<16xi32>
    %add3A_17 = arith.addi %iota3A, %broadcast_in_dim3A_16 : vector<16xi32>
    %broadcast_in_dim3A_18 = arith.constant 96 : i32
    %broadcast_in_dim3A_19 = vector.broadcast %broadcast_in_dim3A_18 : i32 to vector<16xi32>
    %add3A_20 = arith.addi %iota3A, %broadcast_in_dim3A_19 : vector<16xi32>
    %broadcast_in_dim3A_21 = arith.constant 112 : i32
    %broadcast_in_dim3A_22 = vector.broadcast %broadcast_in_dim3A_21 : i32 to vector<16xi32>
    %add3A_23 = arith.addi %iota3A, %broadcast_in_dim3A_22 : vector<16xi32>
    %dma_start3A = arith.constant 0 : i32
    %dma_start3A_24 = arith.constant 0 : i32
    %dma_start3A_25 = tpu.memref_slice %arg5[%dma_start3A, %dma_start3A_24] : memref<200x128xi32, #tpu.memory_space<vmem>> -> memref<1x128xi32, #tpu.memory_space<vmem>>
    %dma_start3A_26 = tpu.memref_squeeze %dma_start3A_25 : memref<1x128xi32, #tpu.memory_space<vmem>> -> memref<128xi32, #tpu.memory_space<vmem>>
    %dma_start3A_27 = arith.constant 0 : i32
    %dma_start3A_28 = arith.constant 0 : i32
    %dma_start3A_29 = tpu.memref_slice %arg3[%dma_start3A_27, %dma_start3A_28] : memref<1000000x128xf32, #tpu.memory_space<hbm>> -> memref<1000000x128xf32, #tpu.memory_space<hbm>>
    tpu.enqueue_indirect_dma source(%dma_start3A_29 : memref<1000000x128xf32, #tpu.memory_space<hbm>>) target(%arg6 : memref<128x128xf32, #tpu.memory_space<vmem>>) offsets(%dma_start3A_26 : memref<128xi32, #tpu.memory_space<vmem>>) semaphore(%arg12 : memref<!tpu.dma_semaphore, #tpu.memory_space<semaphore_mem>>)
    %dma_start3A_30 = arith.constant 1 : i32
    %dma_start3A_31 = arith.constant 0 : i32
    %dma_start3A_32 = tpu.memref_slice %arg5[%dma_start3A_30, %dma_start3A_31] : memref<200x128xi32, #tpu.memory_space<vmem>> -> memref<1x128xi32, #tpu.memory_space<vmem>>
    %dma_start3A_33 = tpu.memref_squeeze %dma_start3A_32 : memref<1x128xi32, #tpu.memory_space<vmem>> -> memref<128xi32, #tpu.memory_space<vmem>>
    %dma_start3A_34 = arith.constant 0 : i32
    %dma_start3A_35 = arith.constant 0 : i32
    %dma_start3A_36 = tpu.memref_slice %arg3[%dma_start3A_34, %dma_start3A_35] : memref<1000000x128xf32, #tpu.memory_space<hbm>> -> memref<1000000x128xf32, #tpu.memory_space<hbm>>
    tpu.enqueue_indirect_dma source(%dma_start3A_36 : memref<1000000x128xf32, #tpu.memory_space<hbm>>) target(%arg7 : memref<128x128xf32, #tpu.memory_space<vmem>>) offsets(%dma_start3A_33 : memref<128xi32, #tpu.memory_space<vmem>>) semaphore(%arg13 : memref<!tpu.dma_semaphore, #tpu.memory_space<semaphore_mem>>)
    %dma_start3A_37 = arith.constant 2 : i32
    %dma_start3A_38 = arith.constant 0 : i32
    %dma_start3A_39 = tpu.memref_slice %arg5[%dma_start3A_37, %dma_start3A_38] : memref<200x128xi32, #tpu.memory_space<vmem>> -> memref<1x128xi32, #tpu.memory_space<vmem>>
    %dma_start3A_40 = tpu.memref_squeeze %dma_start3A_39 : memref<1x128xi32, #tpu.memory_space<vmem>> -> memref<128xi32, #tpu.memory_space<vmem>>
    %dma_start3A_41 = arith.constant 0 : i32
    %dma_start3A_42 = arith.constant 0 : i32
    %dma_start3A_43 = tpu.memref_slice %arg3[%dma_start3A_41, %dma_start3A_42] : memref<1000000x128xf32, #tpu.memory_space<hbm>> -> memref<1000000x128xf32, #tpu.memory_space<hbm>>
    tpu.enqueue_indirect_dma source(%dma_start3A_43 : memref<1000000x128xf32, #tpu.memory_space<hbm>>) target(%arg8 : memref<128x128xf32, #tpu.memory_space<vmem>>) offsets(%dma_start3A_40 : memref<128xi32, #tpu.memory_space<vmem>>) semaphore(%arg14 : memref<!tpu.dma_semaphore, #tpu.memory_space<semaphore_mem>>)
    %scan3A = arith.constant 0 : i32
    %scan3A_44 = arith.constant 50 : i32
    %scan3A_45 = arith.addi %scan3A, %scan3A_44 : i32
    %scan3A_46 = arith.constant 1 : i32
    scf.for %scan3A_71 = %scan3A to %scan3A_45 step %scan3A_46  : i32 {
      %mul3A_72 = arith.constant 4 : i32
      %mul3A_73 = arith.muli %scan3A_71, %mul3A_72 : i32
      %add3A_74 = arith.constant 0 : i32
      %add3A_75 = arith.addi %add3A_74, %mul3A_73 : i32
      %add3A_76 = arith.constant 0 : i32
      %add3A_77 = arith.addi %add3A_75, %add3A_76 : i32
      %add3A_78 = arith.constant 4 : i32
      %add3A_79 = arith.addi %add3A_77, %add3A_78 : i32
      %sub3A = arith.constant 1 : i32
      %sub3A_80 = arith.subi %add3A_79, %sub3A : i32
      %lt3A = arith.constant 200 : i32
      %lt3A_81 = arith.cmpi slt, %sub3A_80, %lt3A : i32
      %convert_element_type3A = arith.extui %lt3A_81 : i1 to i32
      %cond3A = arith.constant 0 : i32
      %cond3A_82 = arith.cmpi ne, %convert_element_type3A, %cond3A : i32
      scf.if %cond3A_82 {
        %add3A_210 = arith.constant 4 : i32
        %add3A_211 = arith.addi %add3A_77, %add3A_210 : i32
        %sub3A_212 = arith.constant 1 : i32
        %sub3A_213 = arith.subi %add3A_211, %sub3A_212 : i32
        %dma_start3A_214 = arith.constant 0 : i32
        %dma_start3A_215 = tpu.memref_slice %arg5[%sub3A_213, %dma_start3A_214] : memref<200x128xi32, #tpu.memory_space<vmem>> -> memref<1x128xi32, #tpu.memory_space<vmem>>
        %dma_start3A_216 = tpu.memref_squeeze %dma_start3A_215 : memref<1x128xi32, #tpu.memory_space<vmem>> -> memref<128xi32, #tpu.memory_space<vmem>>
        %dma_start3A_217 = arith.constant 0 : i32
        %dma_start3A_218 = arith.constant 0 : i32
        %dma_start3A_219 = tpu.memref_slice %arg3[%dma_start3A_217, %dma_start3A_218] : memref<1000000x128xf32, #tpu.memory_space<hbm>> -> memref<1000000x128xf32, #tpu.memory_space<hbm>>
        tpu.enqueue_indirect_dma source(%dma_start3A_219 : memref<1000000x128xf32, #tpu.memory_space<hbm>>) target(%arg9 : memref<128x128xf32, #tpu.memory_space<vmem>>) offsets(%dma_start3A_216 : memref<128xi32, #tpu.memory_space<vmem>>) semaphore(%arg15 : memref<!tpu.dma_semaphore, #tpu.memory_space<semaphore_mem>>)
      } else {
      }
      %dma_wait3A_83 = arith.constant 0 : i32
      %dma_wait3A_84 = arith.constant 0 : i32
      %dma_wait3A_85 = tpu.memref_slice %arg3[%dma_wait3A_83, %dma_wait3A_84] : memref<1000000x128xf32, #tpu.memory_space<hbm>> -> memref<128x128xf32, #tpu.memory_space<hbm>>
      %dma_wait3A_86 = arith.constant 0 : i32
      %dma_wait3A_87 = arith.constant 0 : i32
      %dma_wait3A_88 = tpu.memref_slice %arg3[%dma_wait3A_86, %dma_wait3A_87] : memref<1000000x128xf32, #tpu.memory_space<hbm>> -> memref<128x128xf32, #tpu.memory_space<hbm>>
      tpu.wait_dma2 semaphore(%arg12 : memref<!tpu.dma_semaphore, #tpu.memory_space<semaphore_mem>>) src(%dma_wait3A_88 : memref<128x128xf32, #tpu.memory_space<hbm>>) dst(%arg6 : memref<128x128xf32, #tpu.memory_space<vmem>>)
      %ge3A = arith.constant 2 : i32
      %ge3A_89 = arith.cmpi sge, %add3A_77, %ge3A : i32
      %convert_element_type3A_90 = arith.extui %ge3A_89 : i1 to i32
      %cond3A_91 = arith.constant 0 : i32
      %cond3A_92 = arith.cmpi ne, %convert_element_type3A_90, %cond3A_91 : i32
      scf.if %cond3A_92 {
        %dma_wait3A_210 = arith.constant 0 : i32
        %dma_wait3A_211 = arith.constant 0 : i32
        %dma_wait3A_212 = arith.constant 0 : i32
        %dma_wait3A_213 = arith.constant 0 : i32
        %dma_wait3A_214 = arith.constant 0 : i32
        %dma_wait3A_215 = tpu.memref_slice %arg4[%dma_wait3A_210, %dma_wait3A_212, %dma_wait3A_211, %dma_wait3A_213, %dma_wait3A_214] : memref<200x4x32x8x128xf32, #tpu.memory_space<hbm>> -> memref<1x4x1x8x128xf32, #tpu.memory_space<hbm>>
        %dma_wait3A_216 = tpu.memref_squeeze %dma_wait3A_215 : memref<1x4x1x8x128xf32, #tpu.memory_space<hbm>> -> memref<4x8x128xf32, #tpu.memory_space<hbm>>
        %dma_wait3A_217 = arith.constant 0 : i32
        %dma_wait3A_218 = arith.constant 0 : i32
        %dma_wait3A_219 = arith.constant 0 : i32
        %dma_wait3A_220 = tpu.memref_slice %arg4[%dma_wait3A_210, %dma_wait3A_217, %dma_wait3A_211, %dma_wait3A_218, %dma_wait3A_219] : memref<200x4x32x8x128xf32, #tpu.memory_space<hbm>> -> memref<1x4x1x8x128xf32, #tpu.memory_space<hbm>>
        %dma_wait3A_221 = tpu.memref_squeeze %dma_wait3A_220 : memref<1x4x1x8x128xf32, #tpu.memory_space<hbm>> -> memref<4x8x128xf32, #tpu.memory_space<hbm>>
        tpu.wait_dma2 semaphore(%arg16 : memref<!tpu.dma_semaphore, #tpu.memory_space<semaphore_mem>>) src(%dma_wait3A_221 : memref<4x8x128xf32, #tpu.memory_space<hbm>>) dst(%arg10 : memref<4x8x128xf32, #tpu.memory_space<vmem>>)
      } else {
      }
      %parallel_loop3A = arith.constant 0 : i32
      %parallel_loop3A_93 = arith.constant 32 : i32
      %parallel_loop3A_94 = arith.constant 1 : i32
      scf.for %parallel_loop3A_210 = %parallel_loop3A to %parallel_loop3A_93 step %parallel_loop3A_94  : i32 {
        %parallel_loop3A_211 = arith.constant 1 : i32
        %parallel_loop3A_212 = vector.broadcast %parallel_loop3A_211 : i32 to vector<16xi32>
        %parallel_loop3A_213 = vector.broadcast %parallel_loop3A_210 : i32 to vector<16xi32>
        %parallel_loop3A_214 = arith.muli %parallel_loop3A_212, %parallel_loop3A_213 : vector<16xi32>
        %parallel_loop3A_215 = arith.constant 3 : i32
        %parallel_loop3A_216 = arith.shrui %parallel_loop3A_210, %parallel_loop3A_215 : i32
        %parallel_loop3A_217 = arith.constant 7 : i32
        %parallel_loop3A_218 = arith.andi %parallel_loop3A_210, %parallel_loop3A_217 : i32
        %parallel_loop3A_219 = tpu.vector_load_idx %arg6[%add3A_2, %parallel_loop3A_214] : memref<128x128xf32, #tpu.memory_space<vmem>>[vector<16xi32>, vector<16xi32>], vector<16xf32>,
        %parallel_loop3A_220 = arith.index_cast %parallel_loop3A_216 : i32 to index
        %parallel_loop3A_221 = arith.index_cast %parallel_loop3A_218 : i32 to index
        %parallel_loop3A_222 = arith.constant 0 : index
        %parallel_loop3A_223 = tpu.vector_load %arg10[%parallel_loop3A_220, %parallel_loop3A_221, %parallel_loop3A_222] {strides = array<i32>} : memref<4x8x128xf32, #tpu.memory_space<vmem>>, vector<16xf32>,
        tpu.vector_store %arg10[%parallel_loop3A_220, %parallel_loop3A_221, %parallel_loop3A_222], %parallel_loop3A_219 {strides = array<i32>} : memref<4x8x128xf32, #tpu.memory_space<vmem>>, vector<16xf32>,
        %parallel_loop3A_224 = tpu.vector_load_idx %arg6[%add3A_5, %parallel_loop3A_214] : memref<128x128xf32, #tpu.memory_space<vmem>>[vector<16xi32>, vector<16xi32>], vector<16xf32>,
        %parallel_loop3A_225 = arith.index_cast %parallel_loop3A_216 : i32 to index
        %parallel_loop3A_226 = arith.index_cast %parallel_loop3A_218 : i32 to index
        %parallel_loop3A_227 = arith.constant 16 : index
        %parallel_loop3A_228 = tpu.vector_load %arg10[%parallel_loop3A_225, %parallel_loop3A_226, %parallel_loop3A_227] {strides = array<i32>} : memref<4x8x128xf32, #tpu.memory_space<vmem>>, vector<16xf32>,
        tpu.vector_store %arg10[%parallel_loop3A_225, %parallel_loop3A_226, %parallel_loop3A_227], %parallel_loop3A_224 {strides = array<i32>} : memref<4x8x128xf32, #tpu.memory_space<vmem>>, vector<16xf32>,
        %parallel_loop3A_229 = tpu.vector_load_idx %arg6[%add3A_8, %parallel_loop3A_214] : memref<128x128xf32, #tpu.memory_space<vmem>>[vector<16xi32>, vector<16xi32>], vector<16xf32>,
        %parallel_loop3A_230 = arith.index_cast %parallel_loop3A_216 : i32 to index
        %parallel_loop3A_231 = arith.index_cast %parallel_loop3A_218 : i32 to index
        %parallel_loop3A_232 = arith.constant 32 : index
        %parallel_loop3A_233 = tpu.vector_load %arg10[%parallel_loop3A_230, %parallel_loop3A_231, %parallel_loop3A_232] {strides = array<i32>} : memref<4x8x128xf32, #tpu.memory_space<vmem>>, vector<16xf32>,
        tpu.vector_store %arg10[%parallel_loop3A_230, %parallel_loop3A_231, %parallel_loop3A_232], %parallel_loop3A_229 {strides = array<i32>} : memref<4x8x128xf32, #tpu.memory_space<vmem>>, vector<16xf32>,
        %parallel_loop3A_234 = tpu.vector_load_idx %arg6[%add3A_11, %parallel_loop3A_214] : memref<128x128xf32, #tpu.memory_space<vmem>>[vector<16xi32>, vector<16xi32>], vector<16xf32>,
        %parallel_loop3A_235 = arith.index_cast %parallel_loop3A_216 : i32 to index
        %parallel_loop3A_236 = arith.index_cast %parallel_loop3A_218 : i32 to index
        %parallel_loop3A_237 = arith.constant 48 : index
        %parallel_loop3A_238 = tpu.vector_load %arg10[%parallel_loop3A_235, %parallel_loop3A_236, %parallel_loop3A_237] {strides = array<i32>} : memref<4x8x128xf32, #tpu.memory_space<vmem>>, vector<16xf32>,
        tpu.vector_store %arg10[%parallel_loop3A_235, %parallel_loop3A_236, %parallel_loop3A_237], %parallel_loop3A_234 {strides = array<i32>} : memref<4x8x128xf32, #tpu.memory_space<vmem>>, vector<16xf32>,
        %parallel_loop3A_239 = tpu.vector_load_idx %arg6[%add3A_14, %parallel_loop3A_214] : memref<128x128xf32, #tpu.memory_space<vmem>>[vector<16xi32>, vector<16xi32>], vector<16xf32>,
        %parallel_loop3A_240 = arith.index_cast %parallel_loop3A_216 : i32 to index
        %parallel_loop3A_241 = arith.index_cast %parallel_loop3A_218 : i32 to index
        %parallel_loop3A_242 = arith.constant 64 : index
        %parallel_loop3A_243 = tpu.vector_load %arg10[%parallel_loop3A_240, %parallel_loop3A_241, %parallel_loop3A_242] {strides = array<i32>} : memref<4x8x128xf32, #tpu.memory_space<vmem>>, vector<16xf32>,
        tpu.vector_store %arg10[%parallel_loop3A_240, %parallel_loop3A_241, %parallel_loop3A_242], %parallel_loop3A_239 {strides = array<i32>} : memref<4x8x128xf32, #tpu.memory_space<vmem>>, vector<16xf32>,
        %parallel_loop3A_244 = tpu.vector_load_idx %arg6[%add3A_17, %parallel_loop3A_214] : memref<128x128xf32, #tpu.memory_space<vmem>>[vector<16xi32>, vector<16xi32>], vector<16xf32>,
        %parallel_loop3A_245 = arith.index_cast %parallel_loop3A_216 : i32 to index
        %parallel_loop3A_246 = arith.index_cast %parallel_loop3A_218 : i32 to index
        %parallel_loop3A_247 = arith.constant 80 : index
        %parallel_loop3A_248 = tpu.vector_load %arg10[%parallel_loop3A_245, %parallel_loop3A_246, %parallel_loop3A_247] {strides = array<i32>} : memref<4x8x128xf32, #tpu.memory_space<vmem>>, vector<16xf32>,
        tpu.vector_store %arg10[%parallel_loop3A_245, %parallel_loop3A_246, %parallel_loop3A_247], %parallel_loop3A_244 {strides = array<i32>} : memref<4x8x128xf32, #tpu.memory_space<vmem>>, vector<16xf32>,
        %parallel_loop3A_249 = tpu.vector_load_idx %arg6[%add3A_20, %parallel_loop3A_214] : memref<128x128xf32, #tpu.memory_space<vmem>>[vector<16xi32>, vector<16xi32>], vector<16xf32>,
        %parallel_loop3A_250 = arith.index_cast %parallel_loop3A_216 : i32 to index
        %parallel_loop3A_251 = arith.index_cast %parallel_loop3A_218 : i32 to index
        %parallel_loop3A_252 = arith.constant 96 : index
        %parallel_loop3A_253 = tpu.vector_load %arg10[%parallel_loop3A_250, %parallel_loop3A_251, %parallel_loop3A_252] {strides = array<i32>} : memref<4x8x128xf32, #tpu.memory_space<vmem>>, vector<16xf32>,
        tpu.vector_store %arg10[%parallel_loop3A_250, %parallel_loop3A_251, %parallel_loop3A_252], %parallel_loop3A_249 {strides = array<i32>} : memref<4x8x128xf32, #tpu.memory_space<vmem>>, vector<16xf32>,
        %parallel_loop3A_254 = tpu.vector_load_idx %arg6[%add3A_23, %parallel_loop3A_214] : memref<128x128xf32, #tpu.memory_space<vmem>>[vector<16xi32>, vector<16xi32>], vector<16xf32>,
        %parallel_loop3A_255 = arith.index_cast %parallel_loop3A_216 : i32 to index
        %parallel_loop3A_256 = arith.index_cast %parallel_loop3A_218 : i32 to index
        %parallel_loop3A_257 = arith.constant 112 : index
        %parallel_loop3A_258 = tpu.vector_load %arg10[%parallel_loop3A_255, %parallel_loop3A_256, %parallel_loop3A_257] {strides = array<i32>} : memref<4x8x128xf32, #tpu.memory_space<vmem>>, vector<16xf32>,
        tpu.vector_store %arg10[%parallel_loop3A_255, %parallel_loop3A_256, %parallel_loop3A_257], %parallel_loop3A_254 {strides = array<i32>} : memref<4x8x128xf32, #tpu.memory_space<vmem>>, vector<16xf32>,
      } {sc.loop_unroll_factor = 4 : i64, sc.parallel_access}
      %dma_start3A_95 = arith.constant 0 : i32
      %dma_start3A_96 = arith.constant 0 : i32
      %dma_start3A_97 = arith.constant 0 : i32
      %dma_start3A_98 = tpu.memref_slice %arg4[%add3A_77, %dma_start3A_95, %add3A, %dma_start3A_96, %dma_start3A_97] : memref<200x4x32x8x128xf32, #tpu.memory_space<hbm>> -> memref<1x4x1x8x128xf32, #tpu.memory_space<hbm>>
      %dma_start3A_99 = tpu.memref_squeeze %dma_start3A_98 : memref<1x4x1x8x128xf32, #tpu.memory_space<hbm>> -> memref<4x8x128xf32, #tpu.memory_space<hbm>>
      %dma_start3A_100 = arith.constant 0 : i32
      %dma_start3A_101 = arith.constant 0 : i32
      %dma_start3A_102 = arith.constant 0 : i32
      %dma_start3A_103 = tpu.memref_slice %arg4[%add3A_77, %dma_start3A_100, %add3A, %dma_start3A_101, %dma_start3A_102] : memref<200x4x32x8x128xf32, #tpu.memory_space<hbm>> -> memref<1x4x1x8x128xf32, #tpu.memory_space<hbm>>
      %dma_start3A_104 = tpu.memref_squeeze %dma_start3A_103 : memref<1x4x1x8x128xf32, #tpu.memory_space<hbm>> -> memref<4x8x128xf32, #tpu.memory_space<hbm>>
      tpu.enqueue_dma source(%arg10 : memref<4x8x128xf32, #tpu.memory_space<vmem>>) target(%dma_start3A_104 : memref<4x8x128xf32, #tpu.memory_space<hbm>>) target_semaphore(%arg16 : memref<!tpu.dma_semaphore, #tpu.memory_space<semaphore_mem>>)
      %add3A_105 = arith.constant 1 : i32
      %add3A_106 = arith.addi %add3A_75, %add3A_105 : i32
      %add3A_107 = arith.constant 4 : i32
      %add3A_108 = arith.addi %add3A_106, %add3A_107 : i32
      %sub3A_109 = arith.constant 1 : i32
      %sub3A_110 = arith.subi %add3A_108, %sub3A_109 : i32
      %lt3A_111 = arith.constant 200 : i32
      %lt3A_112 = arith.cmpi slt, %sub3A_110, %lt3A_111 : i32
      %convert_element_type3A_113 = arith.extui %lt3A_112 : i1 to i32
      %cond3A_114 = arith.constant 0 : i32
      %cond3A_115 = arith.cmpi ne, %convert_element_type3A_113, %cond3A_114 : i32
      scf.if %cond3A_115 {
        %add3A_210 = arith.constant 4 : i32
        %add3A_211 = arith.addi %add3A_106, %add3A_210 : i32
        %sub3A_212 = arith.constant 1 : i32
        %sub3A_213 = arith.subi %add3A_211, %sub3A_212 : i32
        %dma_start3A_214 = arith.constant 0 : i32
        %dma_start3A_215 = tpu.memref_slice %arg5[%sub3A_213, %dma_start3A_214] : memref<200x128xi32, #tpu.memory_space<vmem>> -> memref<1x128xi32, #tpu.memory_space<vmem>>
        %dma_start3A_216 = tpu.memref_squeeze %dma_start3A_215 : memref<1x128xi32, #tpu.memory_space<vmem>> -> memref<128xi32, #tpu.memory_space<vmem>>
        %dma_start3A_217 = arith.constant 0 : i32
        %dma_start3A_218 = arith.constant 0 : i32
        %dma_start3A_219 = tpu.memref_slice %arg3[%dma_start3A_217, %dma_start3A_218] : memref<1000000x128xf32, #tpu.memory_space<hbm>> -> memref<1000000x128xf32, #tpu.memory_space<hbm>>
        tpu.enqueue_indirect_dma source(%dma_start3A_219 : memref<1000000x128xf32, #tpu.memory_space<hbm>>) target(%arg6 : memref<128x128xf32, #tpu.memory_space<vmem>>) offsets(%dma_start3A_216 : memref<128xi32, #tpu.memory_space<vmem>>) semaphore(%arg12 : memref<!tpu.dma_semaphore, #tpu.memory_space<semaphore_mem>>)
      } else {
      }
      %dma_wait3A_116 = arith.constant 0 : i32
      %dma_wait3A_117 = arith.constant 0 : i32
      %dma_wait3A_118 = tpu.memref_slice %arg3[%dma_wait3A_116, %dma_wait3A_117] : memref<1000000x128xf32, #tpu.memory_space<hbm>> -> memref<128x128xf32, #tpu.memory_space<hbm>>
      %dma_wait3A_119 = arith.constant 0 : i32
      %dma_wait3A_120 = arith.constant 0 : i32
      %dma_wait3A_121 = tpu.memref_slice %arg3[%dma_wait3A_119, %dma_wait3A_120] : memref<1000000x128xf32, #tpu.memory_space<hbm>> -> memref<128x128xf32, #tpu.memory_space<hbm>>
      tpu.wait_dma2 semaphore(%arg13 : memref<!tpu.dma_semaphore, #tpu.memory_space<semaphore_mem>>) src(%dma_wait3A_121 : memref<128x128xf32, #tpu.memory_space<hbm>>) dst(%arg7 : memref<128x128xf32, #tpu.memory_space<vmem>>)
      %ge3A_122 = arith.constant 2 : i32
      %ge3A_123 = arith.cmpi sge, %add3A_106, %ge3A_122 : i32
      %convert_element_type3A_124 = arith.extui %ge3A_123 : i1 to i32
      %cond3A_125 = arith.constant 0 : i32
      %cond3A_126 = arith.cmpi ne, %convert_element_type3A_124, %cond3A_125 : i32
      scf.if %cond3A_126 {
        %dma_wait3A_210 = arith.constant 0 : i32
        %dma_wait3A_211 = arith.constant 0 : i32
        %dma_wait3A_212 = arith.constant 0 : i32
        %dma_wait3A_213 = arith.constant 0 : i32
        %dma_wait3A_214 = arith.constant 0 : i32
        %dma_wait3A_215 = tpu.memref_slice %arg4[%dma_wait3A_210, %dma_wait3A_212, %dma_wait3A_211, %dma_wait3A_213, %dma_wait3A_214] : memref<200x4x32x8x128xf32, #tpu.memory_space<hbm>> -> memref<1x4x1x8x128xf32, #tpu.memory_space<hbm>>
        %dma_wait3A_216 = tpu.memref_squeeze %dma_wait3A_215 : memref<1x4x1x8x128xf32, #tpu.memory_space<hbm>> -> memref<4x8x128xf32, #tpu.memory_space<hbm>>
        %dma_wait3A_217 = arith.constant 0 : i32
        %dma_wait3A_218 = arith.constant 0 : i32
        %dma_wait3A_219 = arith.constant 0 : i32
        %dma_wait3A_220 = tpu.memref_slice %arg4[%dma_wait3A_210, %dma_wait3A_217, %dma_wait3A_211, %dma_wait3A_218, %dma_wait3A_219] : memref<200x4x32x8x128xf32, #tpu.memory_space<hbm>> -> memref<1x4x1x8x128xf32, #tpu.memory_space<hbm>>
        %dma_wait3A_221 = tpu.memref_squeeze %dma_wait3A_220 : memref<1x4x1x8x128xf32, #tpu.memory_space<hbm>> -> memref<4x8x128xf32, #tpu.memory_space<hbm>>
        tpu.wait_dma2 semaphore(%arg17 : memref<!tpu.dma_semaphore, #tpu.memory_space<semaphore_mem>>) src(%dma_wait3A_221 : memref<4x8x128xf32, #tpu.memory_space<hbm>>) dst(%arg11 : memref<4x8x128xf32, #tpu.memory_space<vmem>>)
      } else {
      }
      %parallel_loop3A_127 = arith.constant 0 : i32
      %parallel_loop3A_128 = arith.constant 32 : i32
      %parallel_loop3A_129 = arith.constant 1 : i32
      scf.for %parallel_loop3A_210 = %parallel_loop3A_127 to %parallel_loop3A_128 step %parallel_loop3A_129  : i32 {
        %parallel_loop3A_211 = arith.constant 1 : i32
        %parallel_loop3A_212 = vector.broadcast %parallel_loop3A_211 : i32 to vector<16xi32>
        %parallel_loop3A_213 = vector.broadcast %parallel_loop3A_210 : i32 to vector<16xi32>
        %parallel_loop3A_214 = arith.muli %parallel_loop3A_212, %parallel_loop3A_213 : vector<16xi32>
        %parallel_loop3A_215 = arith.constant 3 : i32
        %parallel_loop3A_216 = arith.shrui %parallel_loop3A_210, %parallel_loop3A_215 : i32
        %parallel_loop3A_217 = arith.constant 7 : i32
        %parallel_loop3A_218 = arith.andi %parallel_loop3A_210, %parallel_loop3A_217 : i32
        %parallel_loop3A_219 = tpu.vector_load_idx %arg7[%add3A_2, %parallel_loop3A_214] : memref<128x128xf32, #tpu.memory_space<vmem>>[vector<16xi32>, vector<16xi32>], vector<16xf32>,
        %parallel_loop3A_220 = arith.index_cast %parallel_loop3A_216 : i32 to index
        %parallel_loop3A_221 = arith.index_cast %parallel_loop3A_218 : i32 to index
        %parallel_loop3A_222 = arith.constant 0 : index
        %parallel_loop3A_223 = tpu.vector_load %arg11[%parallel_loop3A_220, %parallel_loop3A_221, %parallel_loop3A_222] {strides = array<i32>} : memref<4x8x128xf32, #tpu.memory_space<vmem>>, vector<16xf32>,
        tpu.vector_store %arg11[%parallel_loop3A_220, %parallel_loop3A_221, %parallel_loop3A_222], %parallel_loop3A_219 {strides = array<i32>} : memref<4x8x128xf32, #tpu.memory_space<vmem>>, vector<16xf32>,
        %parallel_loop3A_224 = tpu.vector_load_idx %arg7[%add3A_5, %parallel_loop3A_214] : memref<128x128xf32, #tpu.memory_space<vmem>>[vector<16xi32>, vector<16xi32>], vector<16xf32>,
        %parallel_loop3A_225 = arith.index_cast %parallel_loop3A_216 : i32 to index
        %parallel_loop3A_226 = arith.index_cast %parallel_loop3A_218 : i32 to index
        %parallel_loop3A_227 = arith.constant 16 : index
        %parallel_loop3A_228 = tpu.vector_load %arg11[%parallel_loop3A_225, %parallel_loop3A_226, %parallel_loop3A_227] {strides = array<i32>} : memref<4x8x128xf32, #tpu.memory_space<vmem>>, vector<16xf32>,
        tpu.vector_store %arg11[%parallel_loop3A_225, %parallel_loop3A_226, %parallel_loop3A_227], %parallel_loop3A_224 {strides = array<i32>} : memref<4x8x128xf32, #tpu.memory_space<vmem>>, vector<16xf32>,
        %parallel_loop3A_229 = tpu.vector_load_idx %arg7[%add3A_8, %parallel_loop3A_214] : memref<128x128xf32, #tpu.memory_space<vmem>>[vector<16xi32>, vector<16xi32>], vector<16xf32>,
        %parallel_loop3A_230 = arith.index_cast %parallel_loop3A_216 : i32 to index
        %parallel_loop3A_231 = arith.index_cast %parallel_loop3A_218 : i32 to index
        %parallel_loop3A_232 = arith.constant 32 : index
        %parallel_loop3A_233 = tpu.vector_load %arg11[%parallel_loop3A_230, %parallel_loop3A_231, %parallel_loop3A_232] {strides = array<i32>} : memref<4x8x128xf32, #tpu.memory_space<vmem>>, vector<16xf32>,
        tpu.vector_store %arg11[%parallel_loop3A_230, %parallel_loop3A_231, %parallel_loop3A_232], %parallel_loop3A_229 {strides = array<i32>} : memref<4x8x128xf32, #tpu.memory_space<vmem>>, vector<16xf32>,
        %parallel_loop3A_234 = tpu.vector_load_idx %arg7[%add3A_11, %parallel_loop3A_214] : memref<128x128xf32, #tpu.memory_space<vmem>>[vector<16xi32>, vector<16xi32>], vector<16xf32>,
        %parallel_loop3A_235 = arith.index_cast %parallel_loop3A_216 : i32 to index
        %parallel_loop3A_236 = arith.index_cast %parallel_loop3A_218 : i32 to index
        %parallel_loop3A_237 = arith.constant 48 : index
        %parallel_loop3A_238 = tpu.vector_load %arg11[%parallel_loop3A_235, %parallel_loop3A_236, %parallel_loop3A_237] {strides = array<i32>} : memref<4x8x128xf32, #tpu.memory_space<vmem>>, vector<16xf32>,
        tpu.vector_store %arg11[%parallel_loop3A_235, %parallel_loop3A_236, %parallel_loop3A_237], %parallel_loop3A_234 {strides = array<i32>} : memref<4x8x128xf32, #tpu.memory_space<vmem>>, vector<16xf32>,
        %parallel_loop3A_239 = tpu.vector_load_idx %arg7[%add3A_14, %parallel_loop3A_214] : memref<128x128xf32, #tpu.memory_space<vmem>>[vector<16xi32>, vector<16xi32>], vector<16xf32>,
        %parallel_loop3A_240 = arith.index_cast %parallel_loop3A_216 : i32 to index
        %parallel_loop3A_241 = arith.index_cast %parallel_loop3A_218 : i32 to index
        %parallel_loop3A_242 = arith.constant 64 : index
        %parallel_loop3A_243 = tpu.vector_load %arg11[%parallel_loop3A_240, %parallel_loop3A_241, %parallel_loop3A_242] {strides = array<i32>} : memref<4x8x128xf32, #tpu.memory_space<vmem>>, vector<16xf32>,
        tpu.vector_store %arg11[%parallel_loop3A_240, %parallel_loop3A_241, %parallel_loop3A_242], %parallel_loop3A_239 {strides = array<i32>} : memref<4x8x128xf32, #tpu.memory_space<vmem>>, vector<16xf32>,
        %parallel_loop3A_244 = tpu.vector_load_idx %arg7[%add3A_17, %parallel_loop3A_214] : memref<128x128xf32, #tpu.memory_space<vmem>>[vector<16xi32>, vector<16xi32>], vector<16xf32>,
        %parallel_loop3A_245 = arith.index_cast %parallel_loop3A_216 : i32 to index
        %parallel_loop3A_246 = arith.index_cast %parallel_loop3A_218 : i32 to index
        %parallel_loop3A_247 = arith.constant 80 : index
        %parallel_loop3A_248 = tpu.vector_load %arg11[%parallel_loop3A_245, %parallel_loop3A_246, %parallel_loop3A_247] {strides = array<i32>} : memref<4x8x128xf32, #tpu.memory_space<vmem>>, vector<16xf32>,
        tpu.vector_store %arg11[%parallel_loop3A_245, %parallel_loop3A_246, %parallel_loop3A_247], %parallel_loop3A_244 {strides = array<i32>} : memref<4x8x128xf32, #tpu.memory_space<vmem>>, vector<16xf32>,
        %parallel_loop3A_249 = tpu.vector_load_idx %arg7[%add3A_20, %parallel_loop3A_214] : memref<128x128xf32, #tpu.memory_space<vmem>>[vector<16xi32>, vector<16xi32>], vector<16xf32>,
        %parallel_loop3A_250 = arith.index_cast %parallel_loop3A_216 : i32 to index
        %parallel_loop3A_251 = arith.index_cast %parallel_loop3A_218 : i32 to index
        %parallel_loop3A_252 = arith.constant 96 : index
        %parallel_loop3A_253 = tpu.vector_load %arg11[%parallel_loop3A_250, %parallel_loop3A_251, %parallel_loop3A_252] {strides = array<i32>} : memref<4x8x128xf32, #tpu.memory_space<vmem>>, vector<16xf32>,
        tpu.vector_store %arg11[%parallel_loop3A_250, %parallel_loop3A_251, %parallel_loop3A_252], %parallel_loop3A_249 {strides = array<i32>} : memref<4x8x128xf32, #tpu.memory_space<vmem>>, vector<16xf32>,
        %parallel_loop3A_254 = tpu.vector_load_idx %arg7[%add3A_23, %parallel_loop3A_214] : memref<128x128xf32, #tpu.memory_space<vmem>>[vector<16xi32>, vector<16xi32>], vector<16xf32>,
        %parallel_loop3A_255 = arith.index_cast %parallel_loop3A_216 : i32 to index
        %parallel_loop3A_256 = arith.index_cast %parallel_loop3A_218 : i32 to index
        %parallel_loop3A_257 = arith.constant 112 : index
        %parallel_loop3A_258 = tpu.vector_load %arg11[%parallel_loop3A_255, %parallel_loop3A_256, %parallel_loop3A_257] {strides = array<i32>} : memref<4x8x128xf32, #tpu.memory_space<vmem>>, vector<16xf32>,
        tpu.vector_store %arg11[%parallel_loop3A_255, %parallel_loop3A_256, %parallel_loop3A_257], %parallel_loop3A_254 {strides = array<i32>} : memref<4x8x128xf32, #tpu.memory_space<vmem>>, vector<16xf32>,
      } {sc.loop_unroll_factor = 4 : i64, sc.parallel_access}
      %dma_start3A_130 = arith.constant 0 : i32
      %dma_start3A_131 = arith.constant 0 : i32
      %dma_start3A_132 = arith.constant 0 : i32
      %dma_start3A_133 = tpu.memref_slice %arg4[%add3A_106, %dma_start3A_130, %add3A, %dma_start3A_131, %dma_start3A_132] : memref<200x4x32x8x128xf32, #tpu.memory_space<hbm>> -> memref<1x4x1x8x128xf32, #tpu.memory_space<hbm>>
      %dma_start3A_134 = tpu.memref_squeeze %dma_start3A_133 : memref<1x4x1x8x128xf32, #tpu.memory_space<hbm>> -> memref<4x8x128xf32, #tpu.memory_space<hbm>>
      %dma_start3A_135 = arith.constant 0 : i32
      %dma_start3A_136 = arith.constant 0 : i32
      %dma_start3A_137 = arith.constant 0 : i32
      %dma_start3A_138 = tpu.memref_slice %arg4[%add3A_106, %dma_start3A_135, %add3A, %dma_start3A_136, %dma_start3A_137] : memref<200x4x32x8x128xf32, #tpu.memory_space<hbm>> -> memref<1x4x1x8x128xf32, #tpu.memory_space<hbm>>
      %dma_start3A_139 = tpu.memref_squeeze %dma_start3A_138 : memref<1x4x1x8x128xf32, #tpu.memory_space<hbm>> -> memref<4x8x128xf32, #tpu.memory_space<hbm>>
      tpu.enqueue_dma source(%arg11 : memref<4x8x128xf32, #tpu.memory_space<vmem>>) target(%dma_start3A_139 : memref<4x8x128xf32, #tpu.memory_space<hbm>>) target_semaphore(%arg17 : memref<!tpu.dma_semaphore, #tpu.memory_space<semaphore_mem>>)
      %add3A_140 = arith.constant 2 : i32
      %add3A_141 = arith.addi %add3A_75, %add3A_140 : i32
      %add3A_142 = arith.constant 4 : i32
      %add3A_143 = arith.addi %add3A_141, %add3A_142 : i32
      %sub3A_144 = arith.constant 1 : i32
      %sub3A_145 = arith.subi %add3A_143, %sub3A_144 : i32
      %lt3A_146 = arith.constant 200 : i32
      %lt3A_147 = arith.cmpi slt, %sub3A_145, %lt3A_146 : i32
      %convert_element_type3A_148 = arith.extui %lt3A_147 : i1 to i32
      %cond3A_149 = arith.constant 0 : i32
      %cond3A_150 = arith.cmpi ne, %convert_element_type3A_148, %cond3A_149 : i32
      scf.if %cond3A_150 {
        %add3A_210 = arith.constant 4 : i32
        %add3A_211 = arith.addi %add3A_141, %add3A_210 : i32
        %sub3A_212 = arith.constant 1 : i32
        %sub3A_213 = arith.subi %add3A_211, %sub3A_212 : i32
        %dma_start3A_214 = arith.constant 0 : i32
        %dma_start3A_215 = tpu.memref_slice %arg5[%sub3A_213, %dma_start3A_214] : memref<200x128xi32, #tpu.memory_space<vmem>> -> memref<1x128xi32, #tpu.memory_space<vmem>>
        %dma_start3A_216 = tpu.memref_squeeze %dma_start3A_215 : memref<1x128xi32, #tpu.memory_space<vmem>> -> memref<128xi32, #tpu.memory_space<vmem>>
        %dma_start3A_217 = arith.constant 0 : i32
        %dma_start3A_218 = arith.constant 0 : i32
        %dma_start3A_219 = tpu.memref_slice %arg3[%dma_start3A_217, %dma_start3A_218] : memref<1000000x128xf32, #tpu.memory_space<hbm>> -> memref<1000000x128xf32, #tpu.memory_space<hbm>>
        tpu.enqueue_indirect_dma source(%dma_start3A_219 : memref<1000000x128xf32, #tpu.memory_space<hbm>>) target(%arg7 : memref<128x128xf32, #tpu.memory_space<vmem>>) offsets(%dma_start3A_216 : memref<128xi32, #tpu.memory_space<vmem>>) semaphore(%arg13 : memref<!tpu.dma_semaphore, #tpu.memory_space<semaphore_mem>>)
      } else {
      }
      %dma_wait3A_151 = arith.constant 0 : i32
      %dma_wait3A_152 = arith.constant 0 : i32
      %dma_wait3A_153 = tpu.memref_slice %arg3[%dma_wait3A_151, %dma_wait3A_152] : memref<1000000x128xf32, #tpu.memory_space<hbm>> -> memref<128x128xf32, #tpu.memory_space<hbm>>
      %dma_wait3A_154 = arith.constant 0 : i32
      %dma_wait3A_155 = arith.constant 0 : i32
      %dma_wait3A_156 = tpu.memref_slice %arg3[%dma_wait3A_154, %dma_wait3A_155] : memref<1000000x128xf32, #tpu.memory_space<hbm>> -> memref<128x128xf32, #tpu.memory_space<hbm>>
      tpu.wait_dma2 semaphore(%arg14 : memref<!tpu.dma_semaphore, #tpu.memory_space<semaphore_mem>>) src(%dma_wait3A_156 : memref<128x128xf32, #tpu.memory_space<hbm>>) dst(%arg8 : memref<128x128xf32, #tpu.memory_space<vmem>>)
      %ge3A_157 = arith.constant 2 : i32
      %ge3A_158 = arith.cmpi sge, %add3A_141, %ge3A_157 : i32
      %convert_element_type3A_159 = arith.extui %ge3A_158 : i1 to i32
      %cond3A_160 = arith.constant 0 : i32
      %cond3A_161 = arith.cmpi ne, %convert_element_type3A_159, %cond3A_160 : i32
      scf.if %cond3A_161 {
        %dma_wait3A_210 = arith.constant 0 : i32
        %dma_wait3A_211 = arith.constant 0 : i32
        %dma_wait3A_212 = arith.constant 0 : i32
        %dma_wait3A_213 = arith.constant 0 : i32
        %dma_wait3A_214 = arith.constant 0 : i32
        %dma_wait3A_215 = tpu.memref_slice %arg4[%dma_wait3A_210, %dma_wait3A_212, %dma_wait3A_211, %dma_wait3A_213, %dma_wait3A_214] : memref<200x4x32x8x128xf32, #tpu.memory_space<hbm>> -> memref<1x4x1x8x128xf32, #tpu.memory_space<hbm>>
        %dma_wait3A_216 = tpu.memref_squeeze %dma_wait3A_215 : memref<1x4x1x8x128xf32, #tpu.memory_space<hbm>> -> memref<4x8x128xf32, #tpu.memory_space<hbm>>
        %dma_wait3A_217 = arith.constant 0 : i32
        %dma_wait3A_218 = arith.constant 0 : i32
        %dma_wait3A_219 = arith.constant 0 : i32
        %dma_wait3A_220 = tpu.memref_slice %arg4[%dma_wait3A_210, %dma_wait3A_217, %dma_wait3A_211, %dma_wait3A_218, %dma_wait3A_219] : memref<200x4x32x8x128xf32, #tpu.memory_space<hbm>> -> memref<1x4x1x8x128xf32, #tpu.memory_space<hbm>>
        %dma_wait3A_221 = tpu.memref_squeeze %dma_wait3A_220 : memref<1x4x1x8x128xf32, #tpu.memory_space<hbm>> -> memref<4x8x128xf32, #tpu.memory_space<hbm>>
        tpu.wait_dma2 semaphore(%arg16 : memref<!tpu.dma_semaphore, #tpu.memory_space<semaphore_mem>>) src(%dma_wait3A_221 : memref<4x8x128xf32, #tpu.memory_space<hbm>>) dst(%arg10 : memref<4x8x128xf32, #tpu.memory_space<vmem>>)
      } else {
      }
      %parallel_loop3A_162 = arith.constant 0 : i32
      %parallel_loop3A_163 = arith.constant 32 : i32
      %parallel_loop3A_164 = arith.constant 1 : i32
      scf.for %parallel_loop3A_210 = %parallel_loop3A_162 to %parallel_loop3A_163 step %parallel_loop3A_164  : i32 {
        %parallel_loop3A_211 = arith.constant 1 : i32
        %parallel_loop3A_212 = vector.broadcast %parallel_loop3A_211 : i32 to vector<16xi32>
        %parallel_loop3A_213 = vector.broadcast %parallel_loop3A_210 : i32 to vector<16xi32>
        %parallel_loop3A_214 = arith.muli %parallel_loop3A_212, %parallel_loop3A_213 : vector<16xi32>
        %parallel_loop3A_215 = arith.constant 3 : i32
        %parallel_loop3A_216 = arith.shrui %parallel_loop3A_210, %parallel_loop3A_215 : i32
        %parallel_loop3A_217 = arith.constant 7 : i32
        %parallel_loop3A_218 = arith.andi %parallel_loop3A_210, %parallel_loop3A_217 : i32
        %parallel_loop3A_219 = tpu.vector_load_idx %arg8[%add3A_2, %parallel_loop3A_214] : memref<128x128xf32, #tpu.memory_space<vmem>>[vector<16xi32>, vector<16xi32>], vector<16xf32>,
        %parallel_loop3A_220 = arith.index_cast %parallel_loop3A_216 : i32 to index
        %parallel_loop3A_221 = arith.index_cast %parallel_loop3A_218 : i32 to index
        %parallel_loop3A_222 = arith.constant 0 : index
        %parallel_loop3A_223 = tpu.vector_load %arg10[%parallel_loop3A_220, %parallel_loop3A_221, %parallel_loop3A_222] {strides = array<i32>} : memref<4x8x128xf32, #tpu.memory_space<vmem>>, vector<16xf32>,
        tpu.vector_store %arg10[%parallel_loop3A_220, %parallel_loop3A_221, %parallel_loop3A_222], %parallel_loop3A_219 {strides = array<i32>} : memref<4x8x128xf32, #tpu.memory_space<vmem>>, vector<16xf32>,
        %parallel_loop3A_224 = tpu.vector_load_idx %arg8[%add3A_5, %parallel_loop3A_214] : memref<128x128xf32, #tpu.memory_space<vmem>>[vector<16xi32>, vector<16xi32>], vector<16xf32>,
        %parallel_loop3A_225 = arith.index_cast %parallel_loop3A_216 : i32 to index
        %parallel_loop3A_226 = arith.index_cast %parallel_loop3A_218 : i32 to index
        %parallel_loop3A_227 = arith.constant 16 : index
        %parallel_loop3A_228 = tpu.vector_load %arg10[%parallel_loop3A_225, %parallel_loop3A_226, %parallel_loop3A_227] {strides = array<i32>} : memref<4x8x128xf32, #tpu.memory_space<vmem>>, vector<16xf32>,
        tpu.vector_store %arg10[%parallel_loop3A_225, %parallel_loop3A_226, %parallel_loop3A_227], %parallel_loop3A_224 {strides = array<i32>} : memref<4x8x128xf32, #tpu.memory_space<vmem>>, vector<16xf32>,
        %parallel_loop3A_229 = tpu.vector_load_idx %arg8[%add3A_8, %parallel_loop3A_214] : memref<128x128xf32, #tpu.memory_space<vmem>>[vector<16xi32>, vector<16xi32>], vector<16xf32>,
        %parallel_loop3A_230 = arith.index_cast %parallel_loop3A_216 : i32 to index
        %parallel_loop3A_231 = arith.index_cast %parallel_loop3A_218 : i32 to index
        %parallel_loop3A_232 = arith.constant 32 : index
        %parallel_loop3A_233 = tpu.vector_load %arg10[%parallel_loop3A_230, %parallel_loop3A_231, %parallel_loop3A_232] {strides = array<i32>} : memref<4x8x128xf32, #tpu.memory_space<vmem>>, vector<16xf32>,
        tpu.vector_store %arg10[%parallel_loop3A_230, %parallel_loop3A_231, %parallel_loop3A_232], %parallel_loop3A_229 {strides = array<i32>} : memref<4x8x128xf32, #tpu.memory_space<vmem>>, vector<16xf32>,
        %parallel_loop3A_234 = tpu.vector_load_idx %arg8[%add3A_11, %parallel_loop3A_214] : memref<128x128xf32, #tpu.memory_space<vmem>>[vector<16xi32>, vector<16xi32>], vector<16xf32>,
        %parallel_loop3A_235 = arith.index_cast %parallel_loop3A_216 : i32 to index
        %parallel_loop3A_236 = arith.index_cast %parallel_loop3A_218 : i32 to index
        %parallel_loop3A_237 = arith.constant 48 : index
        %parallel_loop3A_238 = tpu.vector_load %arg10[%parallel_loop3A_235, %parallel_loop3A_236, %parallel_loop3A_237] {strides = array<i32>} : memref<4x8x128xf32, #tpu.memory_space<vmem>>, vector<16xf32>,
        tpu.vector_store %arg10[%parallel_loop3A_235, %parallel_loop3A_236, %parallel_loop3A_237], %parallel_loop3A_234 {strides = array<i32>} : memref<4x8x128xf32, #tpu.memory_space<vmem>>, vector<16xf32>,
        %parallel_loop3A_239 = tpu.vector_load_idx %arg8[%add3A_14, %parallel_loop3A_214] : memref<128x128xf32, #tpu.memory_space<vmem>>[vector<16xi32>, vector<16xi32>], vector<16xf32>,
        %parallel_loop3A_240 = arith.index_cast %parallel_loop3A_216 : i32 to index
        %parallel_loop3A_241 = arith.index_cast %parallel_loop3A_218 : i32 to index
        %parallel_loop3A_242 = arith.constant 64 : index
        %parallel_loop3A_243 = tpu.vector_load %arg10[%parallel_loop3A_240, %parallel_loop3A_241, %parallel_loop3A_242] {strides = array<i32>} : memref<4x8x128xf32, #tpu.memory_space<vmem>>, vector<16xf32>,
        tpu.vector_store %arg10[%parallel_loop3A_240, %parallel_loop3A_241, %parallel_loop3A_242], %parallel_loop3A_239 {strides = array<i32>} : memref<4x8x128xf32, #tpu.memory_space<vmem>>, vector<16xf32>,
        %parallel_loop3A_244 = tpu.vector_load_idx %arg8[%add3A_17, %parallel_loop3A_214] : memref<128x128xf32, #tpu.memory_space<vmem>>[vector<16xi32>, vector<16xi32>], vector<16xf32>,
        %parallel_loop3A_245 = arith.index_cast %parallel_loop3A_216 : i32 to index
        %parallel_loop3A_246 = arith.index_cast %parallel_loop3A_218 : i32 to index
        %parallel_loop3A_247 = arith.constant 80 : index
        %parallel_loop3A_248 = tpu.vector_load %arg10[%parallel_loop3A_245, %parallel_loop3A_246, %parallel_loop3A_247] {strides = array<i32>} : memref<4x8x128xf32, #tpu.memory_space<vmem>>, vector<16xf32>,
        tpu.vector_store %arg10[%parallel_loop3A_245, %parallel_loop3A_246, %parallel_loop3A_247], %parallel_loop3A_244 {strides = array<i32>} : memref<4x8x128xf32, #tpu.memory_space<vmem>>, vector<16xf32>,
        %parallel_loop3A_249 = tpu.vector_load_idx %arg8[%add3A_20, %parallel_loop3A_214] : memref<128x128xf32, #tpu.memory_space<vmem>>[vector<16xi32>, vector<16xi32>], vector<16xf32>,
        %parallel_loop3A_250 = arith.index_cast %parallel_loop3A_216 : i32 to index
        %parallel_loop3A_251 = arith.index_cast %parallel_loop3A_218 : i32 to index
        %parallel_loop3A_252 = arith.constant 96 : index
        %parallel_loop3A_253 = tpu.vector_load %arg10[%parallel_loop3A_250, %parallel_loop3A_251, %parallel_loop3A_252] {strides = array<i32>} : memref<4x8x128xf32, #tpu.memory_space<vmem>>, vector<16xf32>,
        tpu.vector_store %arg10[%parallel_loop3A_250, %parallel_loop3A_251, %parallel_loop3A_252], %parallel_loop3A_249 {strides = array<i32>} : memref<4x8x128xf32, #tpu.memory_space<vmem>>, vector<16xf32>,
        %parallel_loop3A_254 = tpu.vector_load_idx %arg8[%add3A_23, %parallel_loop3A_214] : memref<128x128xf32, #tpu.memory_space<vmem>>[vector<16xi32>, vector<16xi32>], vector<16xf32>,
        %parallel_loop3A_255 = arith.index_cast %parallel_loop3A_216 : i32 to index
        %parallel_loop3A_256 = arith.index_cast %parallel_loop3A_218 : i32 to index
        %parallel_loop3A_257 = arith.constant 112 : index
        %parallel_loop3A_258 = tpu.vector_load %arg10[%parallel_loop3A_255, %parallel_loop3A_256, %parallel_loop3A_257] {strides = array<i32>} : memref<4x8x128xf32, #tpu.memory_space<vmem>>, vector<16xf32>,
        tpu.vector_store %arg10[%parallel_loop3A_255, %parallel_loop3A_256, %parallel_loop3A_257], %parallel_loop3A_254 {strides = array<i32>} : memref<4x8x128xf32, #tpu.memory_space<vmem>>, vector<16xf32>,
      } {sc.loop_unroll_factor = 4 : i64, sc.parallel_access}
      %dma_start3A_165 = arith.constant 0 : i32
      %dma_start3A_166 = arith.constant 0 : i32
      %dma_start3A_167 = arith.constant 0 : i32
      %dma_start3A_168 = tpu.memref_slice %arg4[%add3A_141, %dma_start3A_165, %add3A, %dma_start3A_166, %dma_start3A_167] : memref<200x4x32x8x128xf32, #tpu.memory_space<hbm>> -> memref<1x4x1x8x128xf32, #tpu.memory_space<hbm>>
      %dma_start3A_169 = tpu.memref_squeeze %dma_start3A_168 : memref<1x4x1x8x128xf32, #tpu.memory_space<hbm>> -> memref<4x8x128xf32, #tpu.memory_space<hbm>>
      %dma_start3A_170 = arith.constant 0 : i32
      %dma_start3A_171 = arith.constant 0 : i32
      %dma_start3A_172 = arith.constant 0 : i32
      %dma_start3A_173 = tpu.memref_slice %arg4[%add3A_141, %dma_start3A_170, %add3A, %dma_start3A_171, %dma_start3A_172] : memref<200x4x32x8x128xf32, #tpu.memory_space<hbm>> -> memref<1x4x1x8x128xf32, #tpu.memory_space<hbm>>
      %dma_start3A_174 = tpu.memref_squeeze %dma_start3A_173 : memref<1x4x1x8x128xf32, #tpu.memory_space<hbm>> -> memref<4x8x128xf32, #tpu.memory_space<hbm>>
      tpu.enqueue_dma source(%arg10 : memref<4x8x128xf32, #tpu.memory_space<vmem>>) target(%dma_start3A_174 : memref<4x8x128xf32, #tpu.memory_space<hbm>>) target_semaphore(%arg16 : memref<!tpu.dma_semaphore, #tpu.memory_space<semaphore_mem>>)
      %add3A_175 = arith.constant 3 : i32
      %add3A_176 = arith.addi %add3A_75, %add3A_175 : i32
      %add3A_177 = arith.constant 4 : i32
      %add3A_178 = arith.addi %add3A_176, %add3A_177 : i32
      %sub3A_179 = arith.constant 1 : i32
      %sub3A_180 = arith.subi %add3A_178, %sub3A_179 : i32
      %lt3A_181 = arith.constant 200 : i32
      %lt3A_182 = arith.cmpi slt, %sub3A_180, %lt3A_181 : i32
      %convert_element_type3A_183 = arith.extui %lt3A_182 : i1 to i32
      %cond3A_184 = arith.constant 0 : i32
      %cond3A_185 = arith.cmpi ne, %convert_element_type3A_183, %cond3A_184 : i32
      scf.if %cond3A_185 {
        %add3A_210 = arith.constant 4 : i32
        %add3A_211 = arith.addi %add3A_176, %add3A_210 : i32
        %sub3A_212 = arith.constant 1 : i32
        %sub3A_213 = arith.subi %add3A_211, %sub3A_212 : i32
        %dma_start3A_214 = arith.constant 0 : i32
        %dma_start3A_215 = tpu.memref_slice %arg5[%sub3A_213, %dma_start3A_214] : memref<200x128xi32, #tpu.memory_space<vmem>> -> memref<1x128xi32, #tpu.memory_space<vmem>>
        %dma_start3A_216 = tpu.memref_squeeze %dma_start3A_215 : memref<1x128xi32, #tpu.memory_space<vmem>> -> memref<128xi32, #tpu.memory_space<vmem>>
        %dma_start3A_217 = arith.constant 0 : i32
        %dma_start3A_218 = arith.constant 0 : i32
        %dma_start3A_219 = tpu.memref_slice %arg3[%dma_start3A_217, %dma_start3A_218] : memref<1000000x128xf32, #tpu.memory_space<hbm>> -> memref<1000000x128xf32, #tpu.memory_space<hbm>>
        tpu.enqueue_indirect_dma source(%dma_start3A_219 : memref<1000000x128xf32, #tpu.memory_space<hbm>>) target(%arg8 : memref<128x128xf32, #tpu.memory_space<vmem>>) offsets(%dma_start3A_216 : memref<128xi32, #tpu.memory_space<vmem>>) semaphore(%arg14 : memref<!tpu.dma_semaphore, #tpu.memory_space<semaphore_mem>>)
      } else {
      }
      %dma_wait3A_186 = arith.constant 0 : i32
      %dma_wait3A_187 = arith.constant 0 : i32
      %dma_wait3A_188 = tpu.memref_slice %arg3[%dma_wait3A_186, %dma_wait3A_187] : memref<1000000x128xf32, #tpu.memory_space<hbm>> -> memref<128x128xf32, #tpu.memory_space<hbm>>
      %dma_wait3A_189 = arith.constant 0 : i32
      %dma_wait3A_190 = arith.constant 0 : i32
      %dma_wait3A_191 = tpu.memref_slice %arg3[%dma_wait3A_189, %dma_wait3A_190] : memref<1000000x128xf32, #tpu.memory_space<hbm>> -> memref<128x128xf32, #tpu.memory_space<hbm>>
      tpu.wait_dma2 semaphore(%arg15 : memref<!tpu.dma_semaphore, #tpu.memory_space<semaphore_mem>>) src(%dma_wait3A_191 : memref<128x128xf32, #tpu.memory_space<hbm>>) dst(%arg9 : memref<128x128xf32, #tpu.memory_space<vmem>>)
      %ge3A_192 = arith.constant 2 : i32
      %ge3A_193 = arith.cmpi sge, %add3A_176, %ge3A_192 : i32
      %convert_element_type3A_194 = arith.extui %ge3A_193 : i1 to i32
      %cond3A_195 = arith.constant 0 : i32
      %cond3A_196 = arith.cmpi ne, %convert_element_type3A_194, %cond3A_195 : i32
      scf.if %cond3A_196 {
        %dma_wait3A_210 = arith.constant 0 : i32
        %dma_wait3A_211 = arith.constant 0 : i32
        %dma_wait3A_212 = arith.constant 0 : i32
        %dma_wait3A_213 = arith.constant 0 : i32
        %dma_wait3A_214 = arith.constant 0 : i32
        %dma_wait3A_215 = tpu.memref_slice %arg4[%dma_wait3A_210, %dma_wait3A_212, %dma_wait3A_211, %dma_wait3A_213, %dma_wait3A_214] : memref<200x4x32x8x128xf32, #tpu.memory_space<hbm>> -> memref<1x4x1x8x128xf32, #tpu.memory_space<hbm>>
        %dma_wait3A_216 = tpu.memref_squeeze %dma_wait3A_215 : memref<1x4x1x8x128xf32, #tpu.memory_space<hbm>> -> memref<4x8x128xf32, #tpu.memory_space<hbm>>
        %dma_wait3A_217 = arith.constant 0 : i32
        %dma_wait3A_218 = arith.constant 0 : i32
        %dma_wait3A_219 = arith.constant 0 : i32
        %dma_wait3A_220 = tpu.memref_slice %arg4[%dma_wait3A_210, %dma_wait3A_217, %dma_wait3A_211, %dma_wait3A_218, %dma_wait3A_219] : memref<200x4x32x8x128xf32, #tpu.memory_space<hbm>> -> memref<1x4x1x8x128xf32, #tpu.memory_space<hbm>>
        %dma_wait3A_221 = tpu.memref_squeeze %dma_wait3A_220 : memref<1x4x1x8x128xf32, #tpu.memory_space<hbm>> -> memref<4x8x128xf32, #tpu.memory_space<hbm>>
        tpu.wait_dma2 semaphore(%arg17 : memref<!tpu.dma_semaphore, #tpu.memory_space<semaphore_mem>>) src(%dma_wait3A_221 : memref<4x8x128xf32, #tpu.memory_space<hbm>>) dst(%arg11 : memref<4x8x128xf32, #tpu.memory_space<vmem>>)
      } else {
      }
      %parallel_loop3A_197 = arith.constant 0 : i32
      %parallel_loop3A_198 = arith.constant 32 : i32
      %parallel_loop3A_199 = arith.constant 1 : i32
      scf.for %parallel_loop3A_210 = %parallel_loop3A_197 to %parallel_loop3A_198 step %parallel_loop3A_199  : i32 {
        %parallel_loop3A_211 = arith.constant 1 : i32
        %parallel_loop3A_212 = vector.broadcast %parallel_loop3A_211 : i32 to vector<16xi32>
        %parallel_loop3A_213 = vector.broadcast %parallel_loop3A_210 : i32 to vector<16xi32>
        %parallel_loop3A_214 = arith.muli %parallel_loop3A_212, %parallel_loop3A_213 : vector<16xi32>
        %parallel_loop3A_215 = arith.constant 3 : i32
        %parallel_loop3A_216 = arith.shrui %parallel_loop3A_210, %parallel_loop3A_215 : i32
        %parallel_loop3A_217 = arith.constant 7 : i32
        %parallel_loop3A_218 = arith.andi %parallel_loop3A_210, %parallel_loop3A_217 : i32
        %parallel_loop3A_219 = tpu.vector_load_idx %arg9[%add3A_2, %parallel_loop3A_214] : memref<128x128xf32, #tpu.memory_space<vmem>>[vector<16xi32>, vector<16xi32>], vector<16xf32>,
        %parallel_loop3A_220 = arith.index_cast %parallel_loop3A_216 : i32 to index
        %parallel_loop3A_221 = arith.index_cast %parallel_loop3A_218 : i32 to index
        %parallel_loop3A_222 = arith.constant 0 : index
        %parallel_loop3A_223 = tpu.vector_load %arg11[%parallel_loop3A_220, %parallel_loop3A_221, %parallel_loop3A_222] {strides = array<i32>} : memref<4x8x128xf32, #tpu.memory_space<vmem>>, vector<16xf32>,
        tpu.vector_store %arg11[%parallel_loop3A_220, %parallel_loop3A_221, %parallel_loop3A_222], %parallel_loop3A_219 {strides = array<i32>} : memref<4x8x128xf32, #tpu.memory_space<vmem>>, vector<16xf32>,
        %parallel_loop3A_224 = tpu.vector_load_idx %arg9[%add3A_5, %parallel_loop3A_214] : memref<128x128xf32, #tpu.memory_space<vmem>>[vector<16xi32>, vector<16xi32>], vector<16xf32>,
        %parallel_loop3A_225 = arith.index_cast %parallel_loop3A_216 : i32 to index
        %parallel_loop3A_226 = arith.index_cast %parallel_loop3A_218 : i32 to index
        %parallel_loop3A_227 = arith.constant 16 : index
        %parallel_loop3A_228 = tpu.vector_load %arg11[%parallel_loop3A_225, %parallel_loop3A_226, %parallel_loop3A_227] {strides = array<i32>} : memref<4x8x128xf32, #tpu.memory_space<vmem>>, vector<16xf32>,
        tpu.vector_store %arg11[%parallel_loop3A_225, %parallel_loop3A_226, %parallel_loop3A_227], %parallel_loop3A_224 {strides = array<i32>} : memref<4x8x128xf32, #tpu.memory_space<vmem>>, vector<16xf32>,
        %parallel_loop3A_229 = tpu.vector_load_idx %arg9[%add3A_8, %parallel_loop3A_214] : memref<128x128xf32, #tpu.memory_space<vmem>>[vector<16xi32>, vector<16xi32>], vector<16xf32>,
        %parallel_loop3A_230 = arith.index_cast %parallel_loop3A_216 : i32 to index
        %parallel_loop3A_231 = arith.index_cast %parallel_loop3A_218 : i32 to index
        %parallel_loop3A_232 = arith.constant 32 : index
        %parallel_loop3A_233 = tpu.vector_load %arg11[%parallel_loop3A_230, %parallel_loop3A_231, %parallel_loop3A_232] {strides = array<i32>} : memref<4x8x128xf32, #tpu.memory_space<vmem>>, vector<16xf32>,
        tpu.vector_store %arg11[%parallel_loop3A_230, %parallel_loop3A_231, %parallel_loop3A_232], %parallel_loop3A_229 {strides = array<i32>} : memref<4x8x128xf32, #tpu.memory_space<vmem>>, vector<16xf32>,
        %parallel_loop3A_234 = tpu.vector_load_idx %arg9[%add3A_11, %parallel_loop3A_214] : memref<128x128xf32, #tpu.memory_space<vmem>>[vector<16xi32>, vector<16xi32>], vector<16xf32>,
        %parallel_loop3A_235 = arith.index_cast %parallel_loop3A_216 : i32 to index
        %parallel_loop3A_236 = arith.index_cast %parallel_loop3A_218 : i32 to index
        %parallel_loop3A_237 = arith.constant 48 : index
        %parallel_loop3A_238 = tpu.vector_load %arg11[%parallel_loop3A_235, %parallel_loop3A_236, %parallel_loop3A_237] {strides = array<i32>} : memref<4x8x128xf32, #tpu.memory_space<vmem>>, vector<16xf32>,
        tpu.vector_store %arg11[%parallel_loop3A_235, %parallel_loop3A_236, %parallel_loop3A_237], %parallel_loop3A_234 {strides = array<i32>} : memref<4x8x128xf32, #tpu.memory_space<vmem>>, vector<16xf32>,
        %parallel_loop3A_239 = tpu.vector_load_idx %arg9[%add3A_14, %parallel_loop3A_214] : memref<128x128xf32, #tpu.memory_space<vmem>>[vector<16xi32>, vector<16xi32>], vector<16xf32>,
        %parallel_loop3A_240 = arith.index_cast %parallel_loop3A_216 : i32 to index
        %parallel_loop3A_241 = arith.index_cast %parallel_loop3A_218 : i32 to index
        %parallel_loop3A_242 = arith.constant 64 : index
        %parallel_loop3A_243 = tpu.vector_load %arg11[%parallel_loop3A_240, %parallel_loop3A_241, %parallel_loop3A_242] {strides = array<i32>} : memref<4x8x128xf32, #tpu.memory_space<vmem>>, vector<16xf32>,
        tpu.vector_store %arg11[%parallel_loop3A_240, %parallel_loop3A_241, %parallel_loop3A_242], %parallel_loop3A_239 {strides = array<i32>} : memref<4x8x128xf32, #tpu.memory_space<vmem>>, vector<16xf32>,
        %parallel_loop3A_244 = tpu.vector_load_idx %arg9[%add3A_17, %parallel_loop3A_214] : memref<128x128xf32, #tpu.memory_space<vmem>>[vector<16xi32>, vector<16xi32>], vector<16xf32>,
        %parallel_loop3A_245 = arith.index_cast %parallel_loop3A_216 : i32 to index
        %parallel_loop3A_246 = arith.index_cast %parallel_loop3A_218 : i32 to index
        %parallel_loop3A_247 = arith.constant 80 : index
        %parallel_loop3A_248 = tpu.vector_load %arg11[%parallel_loop3A_245, %parallel_loop3A_246, %parallel_loop3A_247] {strides = array<i32>} : memref<4x8x128xf32, #tpu.memory_space<vmem>>, vector<16xf32>,
        tpu.vector_store %arg11[%parallel_loop3A_245, %parallel_loop3A_246, %parallel_loop3A_247], %parallel_loop3A_244 {strides = array<i32>} : memref<4x8x128xf32, #tpu.memory_space<vmem>>, vector<16xf32>,
        %parallel_loop3A_249 = tpu.vector_load_idx %arg9[%add3A_20, %parallel_loop3A_214] : memref<128x128xf32, #tpu.memory_space<vmem>>[vector<16xi32>, vector<16xi32>], vector<16xf32>,
        %parallel_loop3A_250 = arith.index_cast %parallel_loop3A_216 : i32 to index
        %parallel_loop3A_251 = arith.index_cast %parallel_loop3A_218 : i32 to index
        %parallel_loop3A_252 = arith.constant 96 : index
        %parallel_loop3A_253 = tpu.vector_load %arg11[%parallel_loop3A_250, %parallel_loop3A_251, %parallel_loop3A_252] {strides = array<i32>} : memref<4x8x128xf32, #tpu.memory_space<vmem>>, vector<16xf32>,
        tpu.vector_store %arg11[%parallel_loop3A_250, %parallel_loop3A_251, %parallel_loop3A_252], %parallel_loop3A_249 {strides = array<i32>} : memref<4x8x128xf32, #tpu.memory_space<vmem>>, vector<16xf32>,
        %parallel_loop3A_254 = tpu.vector_load_idx %arg9[%add3A_23, %parallel_loop3A_214] : memref<128x128xf32, #tpu.memory_space<vmem>>[vector<16xi32>, vector<16xi32>], vector<16xf32>,
        %parallel_loop3A_255 = arith.index_cast %parallel_loop3A_216 : i32 to index
        %parallel_loop3A_256 = arith.index_cast %parallel_loop3A_218 : i32 to index
        %parallel_loop3A_257 = arith.constant 112 : index
        %parallel_loop3A_258 = tpu.vector_load %arg11[%parallel_loop3A_255, %parallel_loop3A_256, %parallel_loop3A_257] {strides = array<i32>} : memref<4x8x128xf32, #tpu.memory_space<vmem>>, vector<16xf32>,
        tpu.vector_store %arg11[%parallel_loop3A_255, %parallel_loop3A_256, %parallel_loop3A_257], %parallel_loop3A_254 {strides = array<i32>} : memref<4x8x128xf32, #tpu.memory_space<vmem>>, vector<16xf32>,
      } {sc.loop_unroll_factor = 4 : i64, sc.parallel_access}
      %dma_start3A_200 = arith.constant 0 : i32
      %dma_start3A_201 = arith.constant 0 : i32
      %dma_start3A_202 = arith.constant 0 : i32
      %dma_start3A_203 = tpu.memref_slice %arg4[%add3A_176, %dma_start3A_200, %add3A, %dma_start3A_201, %dma_start3A_202] : memref<200x4x32x8x128xf32, #tpu.memory_space<hbm>> -> memref<1x4x1x8x128xf32, #tpu.memory_space<hbm>>
      %dma_start3A_204 = tpu.memref_squeeze %dma_start3A_203 : memref<1x4x1x8x128xf32, #tpu.memory_space<hbm>> -> memref<4x8x128xf32, #tpu.memory_space<hbm>>
      %dma_start3A_205 = arith.constant 0 : i32
      %dma_start3A_206 = arith.constant 0 : i32
      %dma_start3A_207 = arith.constant 0 : i32
      %dma_start3A_208 = tpu.memref_slice %arg4[%add3A_176, %dma_start3A_205, %add3A, %dma_start3A_206, %dma_start3A_207] : memref<200x4x32x8x128xf32, #tpu.memory_space<hbm>> -> memref<1x4x1x8x128xf32, #tpu.memory_space<hbm>>
      %dma_start3A_209 = tpu.memref_squeeze %dma_start3A_208 : memref<1x4x1x8x128xf32, #tpu.memory_space<hbm>> -> memref<4x8x128xf32, #tpu.memory_space<hbm>>
      tpu.enqueue_dma source(%arg11 : memref<4x8x128xf32, #tpu.memory_space<vmem>>) target(%dma_start3A_209 : memref<4x8x128xf32, #tpu.memory_space<hbm>>) target_semaphore(%arg17 : memref<!tpu.dma_semaphore, #tpu.memory_space<semaphore_mem>>)
    }
    %scan3A_47 = arith.constant 50 : i32
    %dma_wait3A = arith.constant 0 : i32
    %dma_wait3A_48 = arith.constant 0 : i32
    %dma_wait3A_49 = arith.constant 0 : i32
    %dma_wait3A_50 = arith.constant 0 : i32
    %dma_wait3A_51 = arith.constant 0 : i32
    %dma_wait3A_52 = tpu.memref_slice %arg4[%dma_wait3A, %dma_wait3A_49, %dma_wait3A_48, %dma_wait3A_50, %dma_wait3A_51] : memref<200x4x32x8x128xf32, #tpu.memory_space<hbm>> -> memref<1x4x1x8x128xf32, #tpu.memory_space<hbm>>
    %dma_wait3A_53 = tpu.memref_squeeze %dma_wait3A_52 : memref<1x4x1x8x128xf32, #tpu.memory_space<hbm>> -> memref<4x8x128xf32, #tpu.memory_space<hbm>>
    %dma_wait3A_54 = arith.constant 0 : i32
    %dma_wait3A_55 = arith.constant 0 : i32
    %dma_wait3A_56 = arith.constant 0 : i32
    %dma_wait3A_57 = tpu.memref_slice %arg4[%dma_wait3A, %dma_wait3A_54, %dma_wait3A_48, %dma_wait3A_55, %dma_wait3A_56] : memref<200x4x32x8x128xf32, #tpu.memory_space<hbm>> -> memref<1x4x1x8x128xf32, #tpu.memory_space<hbm>>
    %dma_wait3A_58 = tpu.memref_squeeze %dma_wait3A_57 : memref<1x4x1x8x128xf32, #tpu.memory_space<hbm>> -> memref<4x8x128xf32, #tpu.memory_space<hbm>>
    tpu.wait_dma2 semaphore(%arg16 : memref<!tpu.dma_semaphore, #tpu.memory_space<semaphore_mem>>) src(%dma_wait3A_58 : memref<4x8x128xf32, #tpu.memory_space<hbm>>) dst(%arg10 : memref<4x8x128xf32, #tpu.memory_space<vmem>>)
    %dma_wait3A_59 = arith.constant 0 : i32
    %dma_wait3A_60 = arith.constant 0 : i32
    %dma_wait3A_61 = arith.constant 0 : i32
    %dma_wait3A_62 = arith.constant 0 : i32
    %dma_wait3A_63 = arith.constant 0 : i32
    %dma_wait3A_64 = tpu.memref_slice %arg4[%dma_wait3A_59, %dma_wait3A_61, %dma_wait3A_60, %dma_wait3A_62, %dma_wait3A_63] : memref<200x4x32x8x128xf32, #tpu.memory_space<hbm>> -> memref<1x4x1x8x128xf32, #tpu.memory_space<hbm>>
    %dma_wait3A_65 = tpu.memref_squeeze %dma_wait3A_64 : memref<1x4x1x8x128xf32, #tpu.memory_space<hbm>> -> memref<4x8x128xf32, #tpu.memory_space<hbm>>
    %dma_wait3A_66 = arith.constant 0 : i32
    %dma_wait3A_67 = arith.constant 0 : i32
    %dma_wait3A_68 = arith.constant 0 : i32
    %dma_wait3A_69 = tpu.memref_slice %arg4[%dma_wait3A_59, %dma_wait3A_66, %dma_wait3A_60, %dma_wait3A_67, %dma_wait3A_68] : memref<200x4x32x8x128xf32, #tpu.memory_space<hbm>> -> memref<1x4x1x8x128xf32, #tpu.memory_space<hbm>>
    %dma_wait3A_70 = tpu.memref_squeeze %dma_wait3A_69 : memref<1x4x1x8x128xf32, #tpu.memory_space<hbm>> -> memref<4x8x128xf32, #tpu.memory_space<hbm>>
    tpu.wait_dma2 semaphore(%arg17 : memref<!tpu.dma_semaphore, #tpu.memory_space<semaphore_mem>>) src(%dma_wait3A_70 : memref<4x8x128xf32, #tpu.memory_space<hbm>>) dst(%arg11 : memref<4x8x128xf32, #tpu.memory_space<vmem>>)
    return
  }
}

</mosaic_0001>

<sc_bundles>
// kernel: kernel.3.cloned.1.call-start
scs
__scs_entry_jumppad:
0x0: {  	(pc) =	sbr.rel $0x88, $3  }
0x1: {  	(tag) =	ssettag $0x0;
	lr =	simm.s32 $0x1  }
0x2: {  	[smem:$0x3F9F] =	sst lr;
	_ =	strace $0xD0000000  }
0x3: {  	_ = 	snop  }
0x4: {  	_ = 	snop  }
0x5: {  	_ = 	snop  }
0x6: {  	_ = 	snop  }
0x7: {  	_ = 	snop  }
__scs_overlays_trampoline_lowered:
0x8: {  	[smem:$0x3FAE] =	sst s0  }
0x9: {  	[smem:$0x3FAF] =	sst s1  }
0xa: {  	[smem:$0x3FB0] =	sst s2  }
0xb: {  	[smem:$0x3FB1] =	sst s3  }
0xc: {  	[smem:$0x3FB2] =	sst s4  }
0xd: {  	[smem:$0x3FB3] =	sst s5  }
0xe: {  	[smem:$0x3FB4] =	sst s6  }
0xf: {  	[smem:$0x3FB5] =	sst s7  }
0x10: {  	[smem:$0x3FB6] =	sst s8  }
0x11: {  	[smem:$0x3FB7] =	sst s9;
	s0 =	simm.s32 @!p0 $0x0  }
0x12: {  	s1 =	sld [smem:$0x3F9D];
	s0 =	simm.s32 @p0 $0x1  }
0x13: {  	[smem:$0x3FB8] =	sst s0;
	s0 =	simm.s32 @!p1 $0x0  }
0x14: {  	s2 =	sld [smem:$0x3F9C];
	s0 =	simm.s32 @p1 $0x1  }
0x15: {  	[smem:$0x3FB9] =	sst s0;
	s0 =	simm.s32 @!p2 $0x0  }
0x16: {  	s3 =	sld [smem:$0x3FDB];
	s0 =	simm.s32 @p2 $0x1  }
0x17: {  	s4 =	simm.s32 $0x1BF5;
	[smem:$0x3FBB] =	sst s0  }
0x18: {  	s0 =	sld [smem:$0x3F9E];
	_ =	swait.ge [sflag:s4], $0x0  }
0x19: {  	s7 =	sld [smem:$0x3F9F]  }
0x1a: {  	s8 =	sadd.s32 $0xFFFFE003, lr  }
0x1b: {  	s9 =	sadd.s32 $0xFFFFFEF7, lr;
	s5 =	simm.s32 $0xFFFFFFFF;
	p2 =	slt.u32 s8, $0xFFFFF086  }
0x1c: {  	p1 =	slt.u32 s9, $0xF7A;
	s5 =	simm.s32 @!p2 $0x0  }
0x1d: {  	s5 =	simm.s32 @p1 $0x1;
	p0 =	seq.s32 s7, s2  }
0x1e: {  	s7 =	smul.u32 @!p0 $0xF7A, s2;
	p2 =	seq.s32 @!p0 s5, $0x0  }
0x1f: {  	s9 =	smul.u32 $0xF7A, s1;
	s8 =	simm.s32 @!p0 $0x1BF5;
	p2 =	por !p2, p0  }
0x20: {  	[sflag:s8] =	ssyncset.s32 @!p0 $0xFFFFF086;
	s6 =	sadd.s32 @!p0 s3, s7;
	s7 =	simm.s32 @!p0 $0x108  }
0x21: {  	s3 =	sadd.s32 s3, s9;
	s6 =	sadd.s32 @!p0 $0x88, s6;
	s7 =	simm.s32 @p2 $0x1082  }
0x22: {  	[simem:s7], [sflag:s8] =	dma.local @!p0 [hbm:s6], $0xF7A  }
0x23: {  	s9 =	sor.u32 $0xD0000000, s2;
	s6 =	simm.s32 $0x108;
	_ =	swait.ge @!p0 [sflag:s8], $0x0  }
0x24: {  	s3 =	sadd.s32 $0x88, s3;
	s6 =	simm.s32 @!p1 $0x1082;
	[sflag:s4] =	ssyncset.s32 $0xFFFFF086  }
0x25: {  	[simem:s6], [sflag:s4] =	dma.local [hbm:s3], $0xF7A  }
0x26: {  	[smem:$0x3F9F] =	sst s1;
	(tag) =	ssettag s2;
	_ =	strace s9  }
0x27: {  	s1 =	sld [smem:$0x3FAF]  }
0x28: {  	s2 =	sld [smem:$0x3FB0]  }
0x29: {  	s4 =	sld [smem:$0x3FB2]  }
0x2a: {  	p0 =	seq.s32 s5, $0x0;
	s5 =	sld [smem:$0x3FB3]  }
0x2b: {  	s6 =	sld [smem:$0x3FB4]  }
0x2c: {  	s7 =	sld [smem:$0x3FB5]  }
0x2d: {  	s3 =	simm.s32 $0x108;
	s8 =	sld [smem:$0x3FB6]  }
0x2e: {  	s3 =	simm.s32 @!p0 $0x1082;
	s9 =	sld [smem:$0x3FB7]  }
0x2f: {  	lr =	sadd.s32 s0, s3;
	s0 =	sld [smem:$0x3FAE]  }
0x30: {  	s3 =	sld [smem:$0x3FB1]  }
0x31: {  	[smem:$0x3FBA] =	sst s10  }
0x32: {  	s10 =	sld [smem:$0x3FB8];
	_ =	sdelay $0x3  }
0x33: {  	p0 =	seq.s32 s10, $0x1;
	s10 =	sld [smem:$0x3FBA];
	_ =	sdelay $0x3  }
0x34: {  	[smem:$0x3FBA] =	sst s10  }
0x35: {  	s10 =	sld [smem:$0x3FB9];
	_ =	sdelay $0x3  }
0x36: {  	p1 =	seq.s32 s10, $0x1;
	s10 =	sld [smem:$0x3FBA];
	_ =	sdelay $0x3  }
0x37: {  	[smem:$0x3FBA] =	sst s10  }
0x38: {  	s10 =	sld [smem:$0x3FBB]  }
0x39: {  	_ = 	snop;
	(pc) =	sbr.ind lr, $3  }
0x3a: {  	_ = 	snop  }
0x3b: {  	_ = 	snop  }
0x3c: {  	p2 =	seq.s32 s10, $0x1;
	s10 =	sld [smem:$0x3FBA]  }
0x3d: {  	_ =	shalt  }
0x3e: {  	_ =	shalt  }
0x3f: {  	_ =	shalt  }
0x40: {  	_ =	shalt  }
0x41: {  	_ =	shalt  }
0x42: {  	_ =	shalt  }
0x43: {  	_ =	shalt  }
0x44: {  	_ =	shalt  }
0x45: {  	_ =	shalt  }
0x46: {  	_ =	shalt  }
0x47: {  	_ =	shalt  }
0x48: {  	_ =	shalt  }
0x49: {  	_ =	shalt  }
0x4a: {  	_ =	shalt  }
0x4b: {  	_ =	shalt  }
0x4c: {  	_ =	shalt  }
0x4d: {  	_ =	shalt  }
0x4e: {  	_ =	shalt  }
0x4f: {  	_ =	shalt  }
0x50: {  	_ =	shalt  }
0x51: {  	_ =	shalt  }
0x52: {  	_ =	shalt  }
0x53: {  	_ =	shalt  }
0x54: {  	_ =	shalt  }
0x55: {  	_ =	shalt  }
0x56: {  	_ =	shalt  }
0x57: {  	_ =	shalt  }
0x58: {  	_ =	shalt  }
0x59: {  	_ =	shalt  }
0x5a: {  	_ =	shalt  }
0x5b: {  	_ =	shalt  }
0x5c: {  	_ =	shalt  }
0x5d: {  	_ =	shalt  }
0x5e: {  	_ =	shalt  }
0x5f: {  	_ =	shalt  }
0x60: {  	_ =	shalt  }
0x61: {  	_ =	shalt  }
0x62: {  	_ =	shalt  }
0x63: {  	_ =	shalt  }
0x64: {  	_ =	shalt  }
0x65: {  	_ =	shalt  }
0x66: {  	_ =	shalt  }
0x67: {  	_ =	shalt  }
0x68: {  	_ =	shalt  }
0x69: {  	_ =	shalt  }
0x6a: {  	_ =	shalt  }
0x6b: {  	_ =	shalt  }
0x6c: {  	_ =	shalt  }
0x6d: {  	_ =	shalt  }
0x6e: {  	_ =	shalt  }
0x6f: {  	_ =	shalt  }
0x70: {  	_ =	shalt  }
0x71: {  	_ =	shalt  }
0x72: {  	_ =	shalt  }
0x73: {  	_ =	shalt  }
0x74: {  	_ =	shalt  }
0x75: {  	_ =	shalt  }
0x76: {  	_ =	shalt  }
0x77: {  	_ =	shalt  }
0x78: {  	_ =	shalt  }
0x79: {  	_ =	shalt  }
0x7a: {  	_ =	shalt  }
0x7b: {  	_ =	shalt  }
0x7c: {  	_ =	shalt  }
0x7d: {  	_ =	shalt  }
0x7e: {  	_ =	shalt  }
0x7f: {  	_ =	shalt  }
0x80: {  	_ =	shalt  }
0x81: {  	_ =	shalt  }
0x82: {  	_ =	shalt  }
0x83: {  	_ =	shalt  }
0x84: {  	_ =	shalt  }
0x85: {  	_ =	shalt  }
0x86: {  	_ =	shalt  }
0x87: {  	_ =	shalt  }
.Lfunc_end0:
.L_simem_size_0:
called_computation_lowered:
.L_overlay_start_0:
0x88: {  	s2 =	sld [smem:$0x3FD9]  }
0x89: {  	s3 =	sld [smem:$0x3FFE];
	_ =	sdelay $0x1  }
0x8a: {  	s1 =	srdreg.scid  }
0x8b: {  	s0 =	sand.u32 $0x1, s1  }
0x8c: {  	s17 =	sshll.u32 s0, $0xA;
	s2 =	sadd.s32 s3, s2  }
0x8d: {  	s2 =	sadd.s32 s2, s17  }
0x8e: {  	[smem:$0x3FC6] =	sst s2  }
0x8f: {  	_ = 	snop  }
0x90: {  	s2 =	sld [smem:$0x3FD0];
	(tm) =	ssettm $0x1  }
0x91: {  	s18 =	sld [smem:$0x3FFB];
	_ =	sdelay $0x3  }
0x92: {  	_ =	strace s18  }
0x93: {  	s3 =	sld [smem:$0x3FFC];
	_ =	sdelay $0x3  }
0x94: {  	_ =	strace s3  }
0x95: {  	s3 =	sld [smem:$0x3FFD];
	_ =	sdelay $0x3  }
0x96: {  	_ =	strace s3  }
0x97: {  	_ =	strace $0x8FFFFFFF  }
0x98: {  	s19 =	sld [smem:$0x3FDB];
	_ =	sdelay $0x1  }
0x99: {  	s4 =	simm.s32 $_scs_section_size  }
0x9a: {  	s5 =	simm.s32 $_size__tile_overlayer_lowered;
	s6 =	simm.s32 $_tile_overlayer_lowered  }
0x9b: {  	s22 =	simm.s32 $0x1BFF;
	s21 =	sshll.u32 s6, $0x1;
	s3 =	sadd.s32 s4, s19  }
0x9c: {  	s7 =	simm.s32 $0x0;
	s20 =	sshll.u32 s5, $0x1;
	s5 =	sadd.s32 s21, s3  }
0x9d: {  	[timem:s7], [sflag:s22] =	dma.local [hbm:s5], s20  }
0x9e: {  	_ =	swait.ge [sflag:s22], s20  }
0x9f: {  	s4 =	ssub.s32 $0x0, s20;
	[sflag:s22] =	ssyncset.done $0x0  }
0xa0: {  	[sflag:s22] =	ssyncadd.s32 s4;
	_ =	sdelay $0x1  }
0xa1: {  	s23 =	simm.s32 $0x1B8B  }
0xa2: {  	_ =	swait.ge [sflag:s23], $0x1  }
0xa3: {  	[sflag:s23] =	ssyncset.done $0x0  }
0xa4: {  	s25 =	simm.s32 $0x1B8E;
	s24 =	sld [smem:$0x3FFE];
	[sflag:s23] =	ssyncadd.s32 $0xFFFFFFFF  }
0xa5: {  	s26 =	simm.s32 $execute0_lowered;
	[smem:$0x3FD2] =	sst s25  }
0xa6: {  	s5 =	sshll.u32 s26, $0x1;
	_ =	strace $0x80000046;
	[dreg:$0x1] =	wrdreg $0xFFFFFFFF  }
0xa7: {  	s28 =	simm.s32 $_size_execute0_lowered;
	s3 =	sadd.s32 s3, s5;
	[dreg:$0x0] =	wrdreg $0x0  }
0xa8: {  	s5 =	sshll.u32 s28, $0x1;
	[dreg:$0x2] =	wrdreg s3  }
0xa9: {  	[dreg:$0x3] =	wrdreg s5  }
0xaa: {  	[dreg:$0x4] =	wrdreg $0xC0  }
0xab: {  	_ =	task [dreg:s7], $0x5FFFF  }
0xac: {  	[dreg:$0x1] =	wrdreg $0xFFFFFFFF  }
0xad: {  	[dreg:$0x0] =	wrdreg $0x60  }
0xae: {  	[dreg:$0x2] =	wrdreg s24  }
0xaf: {  	[dreg:$0x3] =	wrdreg s2  }
0xb0: {  	[dreg:$0x4] =	wrdreg $0x9  }
0xb1: {  	_ =	task.clear_ibuf [dreg:s7], $0x5FFFF;
	_ =	strace $0x90000046  }
0xb2: {  	s29 =	simm.s32 $0x9;
	_ =	strace $0x80000048  }
0xb3: {  	_ =	swait.ge [sflag:s29], $0x1  }
0xb4: {  	[sflag:s29] =	ssyncadd.s32 $0xFFFFFFFF  }
0xb5: {  	_ =	strace $0x90000048  }
0xb6: {  	_ =	sfence  }
0xb7: {  	s30 =	sld [smem:$0x0];
	_ =	sdelay $0x2  }
0xb8: {  	s31 =	sshll.u32 s1, $0xD;
	s1 =	sshrl.u32 s1, $0x2  }
0xb9: {  	s3 =	sand.u32 $0x4000, s31;
	s1 =	sadd.s32 s1, s30  }
0xba: {  	s0 =	sor.u32 s3, s0;
	s1 =	sshll.u32 s1, $0x11  }
0xbb: {  	s0 =	sor.u32 s1, s0  }
0xbc: {  	s0 =	sadd.s32 $0x8F2B, s0  }
0xbd: {  	[sflag:s0] =	ssyncadd.remote.s32 $0x1  }
0xbe: {  	_ =	sfence.sel $0xFFFF  }
0xbf: {  	[dreg:$0x0] =	wrdreg $0xFFFFFFFF;
	(pc) =	sbr.abs _section_cstart, $3  }
0xc0: {  	[dreg:$0x1] =	wrdreg $0xFFFFFFFF  }
0xc1: {  	_ =	task.clear_ibuf [dreg:s7], $0x2FFFF;
	_ =	strace $0x9FFFFFFF  }
0xc2: {  	(tm) =	ssettm $0x7FFFFFFF  }
0xc3: {  	_ =	shalt  }
tec
execute0_lowered:
.L_overlay_start_1:
0x0: {  	(tag) =	ssettag $0x1  }
0x1: {  	s0 =	rddreg [dreg:$0x0]  }
0x2: {  	s1 =	srdreg.scid;
	s2 =	stileid.u32  }
0x3: {  	s24 =	rddreg [dreg:$0x1];
	s3 =	simm.s32 $0x0;
	s12 =	simm.s32 $0x6400  }
0x4: {  	s13 =	simm.s32 $0xA400;
	s15 =	simm.s32 $0xE400;
	s16 =	simm.s32 $0x12400  }
0x5: {  	s18 =	simm.s32 $0x400;
	s19 =	simm.s32 $0x8000;
	s22 =	simm.s32 $0x6  }
0x6: {  	s21 =	simm.s32 $0x17400;
	s1 =	sand.u32 $0x1, s1;
	s2 =	sshll.u32 s2, $0x1  }
0x7: {  	s25 =	simm.s32 $0x5;
	[smem:$0x7FF] =	sst s3;
	s2 =	sor.u32 s1, s2  }
0x8: {  	v0 =	vlaneseq.u32;
	s4 =	sadd.s32 $0xF5BA00, s0;
	s30 =	sadd.s32 $0x4000, s24;
	s26 =	smul.u32 $0xC80, s2  }
0x9: {  	s31 =	sadd.s32 $0x8000, s24;
	v0 =	vmul.u32 $0x80, v0;
	_ =	strace $0x80000047;
	s1 =	ssub.s32 $0x2, s1  }
0xa: {  	[dreg:$0x4] =	wrdreg s30;
	s28 =	sshrl.u32 s1, $0x1;
	s3 =	sadd.s32 s26, s0  }
0xb: {  	[dreg:$0x5] =	wrdreg s31;
	v1 =	vor.u32 $0x800, v0;
	s0 =	ssub.s32 s1, s28;
	s29 =	sadd.s32 $0xF42A00, s3  }
0xc: {  	s6 =	sshll.u32 s2, $0xA;
	v2 =	vor.u32 $0x1000, v0;
	v3 =	vor.u32 $0x1800, v0;
	v4 =	vor.u32 $0x2000, v0;
	s0 =	smax.u32 s0, $0x1;
	[dreg:$0x3] =	wrdreg s29  }
0xd: {  	v5 =	vor.u32 $0x2800, v0;
	v6 =	vor.u32 $0x3000, v0;
	v7 =	vor.u32 $0x3800, v0;
	s26 =	simm.s32 $0x4;
	s1 =	simm.s32 $0x0;
	[dreg:$0x6] =	wrdreg s0  }
.LBB2_1:
0xe: {  	[dreg:$0x7] =	wrdreg s1  }
0xf: {  	s0 =	simm.s32 $0x0;
	s23 =	rddreg [dreg:$0x3];
	s28 =	simm.s32 $0x7  }
0x10: {  	[tilespmem:s0], [sflag:$0x7] =	stream.linear.gather [hbm4b:s23+s0], $0x6400, $0x38;
	[tilespmem:$0x18400] =	vst v63  }
0x11: {  	_ =	swait.ge [sflag:s28], $0x6400  }
0x12: {  	[sflag:s28] =	ssyncset.done $0x0  }
0x13: {  	s30 =	simm.s32 $0x80;
	[sflag:s28] =	ssyncadd.s32 $0xFFFF9C00  }
0x14: {  	[tilespmem:s12], [sflag:$0x1] =	stream.indirect.gather [hbm4b:s4+s30], $0x80, s0, s30, $0xb8;
	[tilespmem:$0x18400] =	vst v63  }
0x15: {  	_ = 	snop  }
0x16: {  	[tilespmem:s13], [sflag:$0x2] =	stream.indirect.gather [hbm4b:s4+s30], $0x80, s30, s30, $0xb8;
	[tilespmem:$0x18400] =	vst v63  }
0x17: {  	s31 =	simm.s32 $0x100;
	s29 =	simm.s32 $0x0  }
0x18: {  	[tilespmem:s15], [sflag:$0x3] =	stream.indirect.gather [hbm4b:s4+s30], $0x80, s31, s30, $0xb8;
	[tilespmem:$0x18400] =	vst v63  }
.LBB2_2:
0x19: {  	s30 =	sshllo.u32 s29, $0x2  }
0x1a: {  	s0 =	simm.s32 $0x0;
	s1 =	sshll.u32 s30, $0x7  }
0x1b: {  	s23 =	simm.s32 $0x1;
	s28 =	simm.s32 $0x80;
	v8 =	vmov s0;
	s1 =	sand.u32 $0x3FFFFF80, s1  }
0x1c: {  	v9 =	vmov s23;
	v8 =	vand.u32 $0x1C, v8;
	[tilespmem:s16], [sflag:$0x4] =	stream.indirect.gather [hbm4b:s4+s28], $0x80, s1, s28, $0xb8;
	[tilespmem:$0x18400] =	vst v63  }
0x1d: {  	v15 =	vbroadcast v8, $0x0;
	v8 =	vand.u32 $0x1D, v9;
	s1 =	simm.s32 $0x1  }
0x1e: {  	_ =	swait.ge [sflag:s1], $0x4000;
	v17 =	vbroadcast v8, $0x0  }
0x1f: {  	p0 =	seq.s32 s29, $0x0;
	[sflag:s1] =	ssyncset.done $0x0;
	v8 =	vor.u32 v0, v15  }
0x20: {  	s0 =	simm.s32 @!p0 $0x5;
	[sflag:s1] =	ssyncadd.s32 $0xFFFFC000;
	v9 =	vor.u32 v0, v17  }
0x21: {  	_ =	swait.ge @!p0 [sflag:s0], $0x1000  }
0x22: {  	[sflag:s0] =	ssyncset.done @!p0 $0x0  }
0x23: {  	[sflag:s0] =	ssyncadd.s32 @!p0 $0xFFFFF000  }
0x24: {  	v8 =	vld.idx.msk [tilespmem:v8+s12+$0x0], $0xffff  }
0x25: {  	s2 =	simm.s32 $0x2;
	v10 =	vor.u32 v1, v15;
	v9 =	vld.idx.msk [tilespmem:v9+s12+$0x0], $0xffff  }
0x26: {  	s3 =	simm.s32 $0x0;
	v11 =	vmov s2;
	v12 =	vor.u32 v1, v17  }
0x27: {  	s5 =	sand.u32 $0xC00, s3;
	s2 =	simm.s32 $0x80;
	v11 =	vand.u32 $0x1E, v11  }
0x28: {  	s2 =	sand.u32 $0x280, s2;
	v16 =	vbroadcast v11, $0x0;
	s1 =	sadd.s32 $0x16400, s5;
	s0 =	simm.s32 $0x16440  }
0x29: {  	s3 =	simm.s32 $0x3;
	s2 =	sor.u32 s2, s1;
	[tilespmem:s0+$0xFFFFFFC0] =	vst v8  }
0x2a: {  	v8 =	vor.u32 v0, v16;
	[tilespmem:s2+$0x0] =	vst v9;
	v9 =	vld.idx.msk [tilespmem:v10+s12+$0x0], $0xffff;
	v10 =	vmov s3  }
0x2b: {  	v11 =	vld.idx.msk [tilespmem:v12+s12+$0x0], $0xffff;
	v12 =	vor.u32 v2, v15;
	v10 =	vand.u32 $0x1F, v10  }
0x2c: {  	v13 =	vor.u32 v2, v17;
	v18 =	vbroadcast v10, $0x0;
	_ =	sdelay $0x1  }
0x2d: {  	s7 =	simm.s32 $0x4;
	v14 =	vor.u32 v0, v18  }
0x2e: {  	v19 =	vld.idx.msk [tilespmem:v8+s12+$0x0], $0xffff;
	v8 =	vmov s7;
	[tilespmem:s0+$0xFFFFFFD0] =	vst v9  }
0x2f: {  	s8 =	simm.s32 $0x5;
	v20 =	vor.u32 v1, v16;
	v8 =	vand.u32 $0x1C, v8;
	[tilespmem:s2+$0x10] =	vst v11;
	v11 =	vld.idx.msk [tilespmem:v12+s12+$0x0], $0xffff  }
0x30: {  	s9 =	simm.s32 $0x6;
	s5 =	simm.s32 $0x100;
	v9 =	vmov s8;
	v8 =	vbroadcast v8, $0x0;
	v12 =	vld.idx.msk [tilespmem:v13+s12+$0x0], $0xffff;
	v13 =	vor.u32 v3, v15  }
0x31: {  	v22 =	vmov s9;
	v21 =	vor.u32 v3, v17;
	s5 =	sand.u32 $0x300, s5;
	v9 =	vand.u32 $0x1D, v9  }
0x32: {  	s31 =	sor.u32 s5, s1;
	v10 =	vbroadcast v9, $0x0;
	v9 =	vand.u32 $0x1E, v22;
	v22 =	vor.u32 v0, v8;
	v14 =	vld.idx.msk [tilespmem:v14+s12+$0x0], $0xffff  }
0x33: {  	v9 =	vbroadcast v9, $0x0;
	[tilespmem:s31+$0x0] =	vst v19;
	v19 =	vor.u32 v1, v18  }
0x34: {  	s10 =	simm.s32 $0x180;
	v23 =	vor.u32 v0, v10;
	v20 =	vld.idx.msk [tilespmem:v20+s12+$0x0], $0xffff;
	[tilespmem:s0+$0xFFFFFFE0] =	vst v11  }
0x35: {  	s3 =	sand.u32 $0x380, s10;
	v11 =	vor.u32 v0, v9;
	[tilespmem:s2+$0x20] =	vst v12;
	v12 =	vld.idx.msk [tilespmem:v13+s12+$0x0], $0xffff  }
0x36: {  	s5 =	sor.u32 s3, s1;
	v13 =	vld.idx.msk [tilespmem:v21+s12+$0x0], $0xffff;
	v21 =	vor.u32 v4, v15  }
0x37: {  	v24 =	vor.u32 v4, v17;
	v22 =	vld.idx.msk [tilespmem:v22+s12+$0x0], $0xffff;
	[tilespmem:s5+$0x0] =	vst v14  }
0x38: {  	v14 =	vor.u32 v2, v16;
	v19 =	vld.idx.msk [tilespmem:v19+s12+$0x0], $0xffff  }
0x39: {  	v25 =	vor.u32 v2, v18;
	v23 =	vld.idx.msk [tilespmem:v23+s12+$0x0], $0xffff  }
0x3a: {  	v26 =	vor.u32 v1, v8;
	v11 =	vld.idx.msk [tilespmem:v11+s12+$0x0], $0xffff;
	[tilespmem:s0+$0xFFFFFFF0] =	vst v12  }
0x3b: {  	s11 =	simm.s32 $0x200;
	v12 =	vor.u32 v1, v10;
	[tilespmem:s2+$0x30] =	vst v13;
	v13 =	vld.idx.msk [tilespmem:v21+s12+$0x0], $0xffff  }
0x3c: {  	s14 =	sand.u32 $0xC00, s11;
	s7 =	simm.s32 $0x280;
	[tilespmem:s31+$0x10] =	vst v20;
	v21 =	vor.u32 v5, v15;
	v20 =	vld.idx.msk [tilespmem:v24+s12+$0x0], $0xffff  }
0x3d: {  	s17 =	sadd.s32 $0x16400, s14;
	s1 =	simm.s32 $0x16640;
	s8 =	sand.u32 $0x280, s7;
	v24 =	vor.u32 v1, v9;
	v14 =	vld.idx.msk [tilespmem:v14+s12+$0x0], $0xffff;
	[tilespmem:s5+$0x10] =	vst v19  }
0x3e: {  	s9 =	simm.s32 $0x300;
	s3 =	sor.u32 s8, s17;
	[tilespmem:s1+$0xFFFFFFC0] =	vst v22;
	v19 =	vor.u32 v3, v16;
	v22 =	vld.idx.msk [tilespmem:v25+s12+$0x0], $0xffff  }
0x3f: {  	s20 =	sand.u32 $0x300, s9;
	[tilespmem:s3+$0x0] =	vst v23;
	v23 =	vld.idx.msk [tilespmem:v26+s12+$0x0], $0xffff;
	v25 =	vor.u32 v3, v18  }
0x40: {  	s23 =	simm.s32 $0x7;
	s14 =	sor.u32 s20, s17;
	v12 =	vld.idx.msk [tilespmem:v12+s12+$0x0], $0xffff;
	[tilespmem:s0+$0x0] =	vst v13;
	v13 =	vor.u32 v5, v17  }
0x41: {  	v27 =	vor.u32 v2, v10;
	v26 =	vmov s23;
	[tilespmem:s14+$0x0] =	vst v11;
	v21 =	vld.idx.msk [tilespmem:v21+s12+$0x0], $0xffff  }
0x42: {  	v11 =	vand.u32 $0x1F, v26;
	v24 =	vld.idx.msk [tilespmem:v24+s12+$0x0], $0xffff;
	[tilespmem:s31+$0x20] =	vst v14;
	v14 =	vor.u32 v2, v8  }
0x43: {  	v11 =	vbroadcast v11, $0x0;
	v19 =	vld.idx.msk [tilespmem:v19+s12+$0x0], $0xffff;
	[tilespmem:s5+$0x20] =	vst v22;
	v22 =	vor.u32 v6, v15  }
0x44: {  	v28 =	vor.u32 v4, v16;
	[tilespmem:s2+$0x40] =	vst v20;
	v20 =	vld.idx.msk [tilespmem:v25+s12+$0x0], $0xffff  }
0x45: {  	s28 =	simm.s32 $0x8;
	v25 =	vor.u32 v0, v11;
	[tilespmem:s3+$0x10] =	vst v12;
	v26 =	vld.idx.msk [tilespmem:v13+s12+$0x0], $0xffff  }
0x46: {  	s9 =	simm.s32 $0x9;
	v29 =	vor.u32 v4, v18;
	[tilespmem:s1+$0xFFFFFFD0] =	vst v23;
	v12 =	vmov s28;
	v23 =	vld.idx.msk [tilespmem:v27+s12+$0x0], $0xffff  }
0x47: {  	v12 =	vand.u32 $0x1C, v12;
	v13 =	vmov s9;
	v27 =	vor.u32 v3, v10;
	[tilespmem:s0+$0x10] =	vst v21;
	v21 =	vld.idx.msk [tilespmem:v14+s12+$0x0], $0xffff  }
0x48: {  	v30 =	vor.u32 v6, v17;
	s10 =	simm.s32 $0xA;
	v12 =	vbroadcast v12, $0x0;
	v13 =	vand.u32 $0x1D, v13;
	[tilespmem:s31+$0x30] =	vst v19;
	v22 =	vld.idx.msk [tilespmem:v22+s12+$0x0], $0xffff  }
0x49: {  	v14 =	vmov s10;
	v13 =	vbroadcast v13, $0x0;
	v19 =	vor.u32 v3, v8;
	v28 =	vld.idx.msk [tilespmem:v28+s12+$0x0], $0xffff  }
0x4a: {  	v14 =	vand.u32 $0x1E, v14;
	v25 =	vld.idx.msk [tilespmem:v25+s12+$0x0], $0xffff;
	[tilespmem:s5+$0x30] =	vst v20;
	v20 =	vor.u32 v0, v12  }
0x4b: {  	v14 =	vbroadcast v14, $0x0;
	v31 =	vor.u32 v0, v13;
	[tilespmem:s3+$0x20] =	vst v23;
	v23 =	vld.idx.msk [tilespmem:v29+s12+$0x0], $0xffff  }
0x4c: {  	v29 =	vor.u32 v1, v11;
	[tilespmem:s2+$0x50] =	vst v26;
	v27 =	vld.idx.msk [tilespmem:v27+s12+$0x0], $0xffff  }
0x4d: {  	s11 =	simm.s32 $0x380;
	v26 =	vor.u32 v0, v14;
	[tilespmem:s1+$0xFFFFFFE0] =	vst v21;
	v21 =	vld.idx.msk [tilespmem:v30+s12+$0x0], $0xffff  }
0x4e: {  	s8 =	sand.u32 $0x380, s11;
	[tilespmem:s14+$0x10] =	vst v24;
	v24 =	vor.u32 v4, v10;
	v19 =	vld.idx.msk [tilespmem:v19+s12+$0x0], $0xffff  }
0x4f: {  	v17 =	vor.u32 v7, v17;
	s9 =	sor.u32 s8, s17;
	[tilespmem:s31+$0x40] =	vst v28;
	v20 =	vld.idx.msk [tilespmem:v20+s12+$0x0], $0xffff  }
0x50: {  	v28 =	vor.u32 v5, v16;
	[tilespmem:s9+$0x0] =	vst v25;
	v25 =	vld.idx.msk [tilespmem:v31+s12+$0x0], $0xffff  }
0x51: {  	v30 =	vor.u32 v5, v18;
	v29 =	vld.idx.msk [tilespmem:v29+s12+$0x0], $0xffff;
	[tilespmem:s5+$0x40] =	vst v23  }
0x52: {  	v23 =	vld.idx.msk [tilespmem:v26+s12+$0x0], $0xffff;
	v26 =	vor.u32 v4, v8;
	[tilespmem:s3+$0x30] =	vst v27  }
0x53: {  	s17 =	simm.s32 $0x400;
	v27 =	vor.u32 v1, v12;
	[tilespmem:s2+$0x60] =	vst v21;
	v24 =	vld.idx.msk [tilespmem:v24+s12+$0x0], $0xffff  }
0x54: {  	s20 =	simm.s32 $0x480;
	s7 =	sand.u32 $0xC00, s17;
	s10 =	simm.s32 $0x16840;
	v21 =	vor.u32 v2, v9;
	[tilespmem:s1+$0xFFFFFFF0] =	vst v19;
	v17 =	vld.idx.msk [tilespmem:v17+s12+$0x0], $0xffff  }
0x55: {  	s8 =	sand.u32 $0x280, s20;
	s7 =	sadd.s32 $0x16400, s7;
	v19 =	vor.u32 v1, v13;
	[tilespmem:s10+$0xFFFFFFC0] =	vst v20;
	v20 =	vld.idx.msk [tilespmem:v28+s12+$0x0], $0xffff  }
0x56: {  	v15 =	vor.u32 v7, v15;
	s11 =	sor.u32 s8, s7;
	[tilespmem:s0+$0x20] =	vst v22;
	v28 =	vld.idx.msk [tilespmem:v30+s12+$0x0], $0xffff  }
0x57: {  	[tilespmem:s11+$0x0] =	vst v25;
	v25 =	vor.u32 v2, v11;
	v26 =	vld.idx.msk [tilespmem:v26+s12+$0x0], $0xffff  }
0x58: {  	v22 =	vor.u32 v6, v16;
	[tilespmem:s9+$0x10] =	vst v29;
	v30 =	vld.idx.msk [tilespmem:v27+s12+$0x0], $0xffff  }
0x59: {  	v27 =	vor.u32 v5, v8;
	v21 =	vld.idx.msk [tilespmem:v21+s12+$0x0], $0xffff;
	[tilespmem:s3+$0x40] =	vst v24  }
0x5a: {  	v32 =	vor.u32 v5, v10;
	v29 =	vld.idx.msk [tilespmem:v19+s12+$0x0], $0xffff;
	[tilespmem:s2+$0x70] =	vst v17  }
0x5b: {  	s23 =	simm.s32 $0x500;
	v24 =	vor.u32 v1, v14;
	v19 =	vld.idx.msk [tilespmem:v15+s12+$0x0], $0xffff;
	[tilespmem:s31+$0x50] =	vst v20  }
0x5c: {  	v17 =	vor.u32 v3, v9;
	s2 =	sand.u32 $0x300, s23;
	v25 =	vld.idx.msk [tilespmem:v25+s12+$0x0], $0xffff;
	[tilespmem:s5+$0x50] =	vst v28  }
0x5d: {  	s2 =	sor.u32 s2, s7;
	v20 =	vor.u32 v6, v18;
	v22 =	vld.idx.msk [tilespmem:v22+s12+$0x0], $0xffff;
	[tilespmem:s1+$0x0] =	vst v26  }
0x5e: {  	s28 =	simm.s32 $0xB;
	[tilespmem:s2+$0x0] =	vst v23;
	v26 =	vor.u32 v3, v11;
	v23 =	vld.idx.msk [tilespmem:v27+s12+$0x0], $0xffff  }
0x5f: {  	v15 =	vmov s28;
	v28 =	vor.u32 v7, v16;
	[tilespmem:s14+$0x20] =	vst v21;
	v21 =	vld.idx.msk [tilespmem:v32+s12+$0x0], $0xffff  }
0x60: {  	v33 =	vor.u32 v2, v13;
	v15 =	vand.u32 $0x1F, v15;
	[tilespmem:s10+$0xFFFFFFD0] =	vst v30;
	v31 =	vld.idx.msk [tilespmem:v24+s12+$0x0], $0xffff  }
0x61: {  	v15 =	vbroadcast v15, $0x0;
	[tilespmem:s11+$0x10] =	vst v29;
	v27 =	vld.idx.msk [tilespmem:v17+s12+$0x0], $0xffff  }
0x62: {  	v16 =	vor.u32 v4, v11;
	v29 =	vor.u32 v2, v12;
	[tilespmem:s9+$0x20] =	vst v25;
	v25 =	vld.idx.msk [tilespmem:v20+s12+$0x0], $0xffff  }
0x63: {  	v30 =	vor.u32 v0, v15;
	v20 =	vor.u32 v6, v8;
	v26 =	vld.idx.msk [tilespmem:v26+s12+$0x0], $0xffff;
	[tilespmem:s31+$0x60] =	vst v22  }
0x64: {  	v17 =	vor.u32 v2, v14;
	v22 =	vor.u32 v7, v18;
	v24 =	vld.idx.msk [tilespmem:v28+s12+$0x0], $0xffff;
	[tilespmem:s1+$0x10] =	vst v23  }
0x65: {  	s20 =	simm.s32 $0xC;
	s8 =	simm.s32 $0x580;
	v18 =	vor.u32 v4, v15;
	v23 =	vld.idx.msk [tilespmem:v33+s12+$0x0], $0xffff;
	v28 =	vor.u32 v4, v9;
	[tilespmem:s2+$0x10] =	vst v31  }
.LBB2_3:
0x66: {  	s17 =	sadd.s32 $0x1, s20  }
0x67: {  	v31 =	vmov s20;
	p1 =	slt.u32 s20, $0x1C;
	v29 =	vld.idx.msk [tilespmem:v29+s12+$0x0], $0xffff;
	v32 =	vor.u32 v6, v10;
	[tilespmem:s14+$0x30] =	vst v27;
	s23 =	smov.u32 s20;
	s20 =	sadd.s32 $0x4, s20  }
0x68: {  	v33 =	vor.u32 v3, v13;
	v27 =	vand.u32 $0x1C, v31;
	v31 =	vmov s17;
	s17 =	sadd.s32 $0x2, s23;
	v20 =	vld.idx.msk [tilespmem:v20+s12+$0x0], $0xffff;
	[tilespmem:s5+$0x60] =	vst v25  }
0x69: {  	v25 =	vbroadcast v27, $0x0;
	v27 =	vand.u32 $0x1D, v31;
	v31 =	vmov s17;
	[tilespmem:s9+$0x30] =	vst v26;
	v22 =	vld.idx.msk [tilespmem:v22+s12+$0x0], $0xffff  }
0x6a: {  	v26 =	vbroadcast v27, $0x0;
	v27 =	vand.u32 $0x1E, v31;
	v31 =	vor.u32 v3, v12;
	v30 =	vld.idx.msk [tilespmem:v30+s12+$0x0], $0xffff;
	[tilespmem:s31+$0x70] =	vst v24;
	s31 =	smov.u32 s14;
	s14 =	smov.u32 s2  }
0x6b: {  	v24 =	vor.u32 v0, v25;
	v27 =	vbroadcast v27, $0x0;
	v28 =	vld.idx.msk [tilespmem:v28+s12+$0x0], $0xffff;
	[tilespmem:s0+$0x30] =	vst v19;
	s0 =	smov.u32 s1;
	s1 =	smov.u32 s10  }
0x6c: {  	v19 =	vor.u32 v0, v26;
	[tilespmem:s11+$0x20] =	vst v23;
	v23 =	vld.idx.msk [tilespmem:v16+s12+$0x0], $0xffff;
	v16 =	vmov v18  }
0x6d: {  	v34 =	vor.u32 v1, v15;
	v18 =	vor.u32 v0, v27;
	v33 =	vld.idx.msk [tilespmem:v33+s12+$0x0], $0xffff;
	[tilespmem:s3+$0x50] =	vst v21  }
0x6e: {  	s2 =	sand.u32 $0x380, s8;
	[tilespmem:s10+$0xFFFFFFE0] =	vst v29;
	v21 =	vld.idx.msk [tilespmem:v32+s12+$0x0], $0xffff  }
0x6f: {  	v29 =	vld.idx.msk [tilespmem:v31+s12+$0x0], $0xffff;
	v31 =	vor.u32 v4, v13;
	[tilespmem:s5+$0x70] =	vst v22;
	s5 =	smov.u32 s9;
	s9 =	sor.u32 s2, s7  }
0x70: {  	v22 =	vld.idx.msk [tilespmem:v24+s12+$0x0], $0xffff;
	[tilespmem:s9+$0x0] =	vst v30;
	v24 =	vor.u32 v7, v10;
	v10 =	vmov v13;
	v13 =	vmov v26  }
0x71: {  	v26 =	vor.u32 v5, v9;
	v19 =	vld.idx.msk [tilespmem:v19+s12+$0x0], $0xffff;
	[tilespmem:s31+$0x40] =	vst v28;
	v28 =	vor.u32 v5, v11  }
0x72: {  	s8 =	sadd.s32 $0x200, s8;
	v30 =	vor.u32 v1, v25;
	v32 =	vld.idx.msk [tilespmem:v34+s12+$0x0], $0xffff;
	[tilespmem:s5+$0x40] =	vst v23  }
0x73: {  	s2 =	sadd.s32 $0xFFFFFE80, s8;
	v23 =	vor.u32 v1, v13;
	v34 =	vor.u32 v4, v12;
	v18 =	vld.idx.msk [tilespmem:v18+s12+$0x0], $0xffff;
	[tilespmem:s11+$0x30] =	vst v33  }
0x74: {  	s10 =	sadd.s32 $0x200, s10;
	s7 =	sadd.s32 $0xFFFFFF00, s8;
	s2 =	sand.u32 $0xC00, s2;
	v33 =	vor.u32 v1, v27;
	v31 =	vld.idx.msk [tilespmem:v31+s12+$0x0], $0xffff;
	[tilespmem:s3+$0x60] =	vst v21  }
0x75: {  	s17 =	sand.u32 $0x280, s7;
	s7 =	sadd.s32 $0x16400, s2;
	s2 =	sadd.s32 $0xFFFFFF80, s8;
	[tilespmem:s1+$0xFFFFFFF0] =	vst v29;
	v21 =	vld.idx.msk [tilespmem:v24+s12+$0x0], $0xffff  }
0x76: {  	s17 =	sor.u32 s17, s7;
	s2 =	sand.u32 $0x300, s2;
	[tilespmem:s10+$0xFFFFFFC0] =	vst v22;
	v22 =	vld.idx.msk [tilespmem:v26+s12+$0x0], $0xffff  }
0x77: {  	s2 =	sor.u32 s2, s7;
	[tilespmem:s17+$0x0] =	vst v19;
	v19 =	vor.u32 v2, v15;
	v24 =	vld.idx.msk [tilespmem:v28+s12+$0x0], $0xffff  }
0x78: {  	v26 =	vld.idx.msk [tilespmem:v34+s12+$0x0], $0xffff;
	[tilespmem:s0+$0x20] =	vst v20;
	v20 =	vor.u32 v6, v9  }
0x79: {  	v29 =	vor.u32 v7, v8;
	v8 =	vmov v12;
	v12 =	vmov v25;
	v28 =	vld.idx.msk [tilespmem:v30+s12+$0x0], $0xffff;
	[tilespmem:s9+$0x10] =	vst v32  }
0x7a: {  	v25 =	vor.u32 v5, v8;
	v32 =	vor.u32 v2, v13;
	[tilespmem:s11+$0x40] =	vst v31;
	v30 =	vld.idx.msk [tilespmem:v17+s12+$0x0], $0xffff  }
0x7b: {  	v17 =	vor.u32 v2, v27;
	v23 =	vld.idx.msk [tilespmem:v23+s12+$0x0], $0xffff;
	[tilespmem:s3+$0x70] =	vst v21;
	s3 =	smov.u32 s11;
	s11 =	smov.u32 s17  }
0x7c: {  	v34 =	vor.u32 v6, v11;
	v21 =	vor.u32 v3, v14;
	v31 =	vld.idx.msk [tilespmem:v19+s12+$0x0], $0xffff;
	[tilespmem:s31+$0x50] =	vst v22  }
0x7d: {  	v35 =	vld.idx.msk [tilespmem:v20+s12+$0x0], $0xffff;
	[tilespmem:s5+$0x50] =	vst v24  }
0x7e: {  	v24 =	vor.u32 v3, v15;
	[tilespmem:s1+$0x0] =	vst v26;
	v19 =	vld.idx.msk [tilespmem:v29+s12+$0x0], $0xffff  }
0x7f: {  	[tilespmem:s2+$0x0] =	vst v18;
	v36 =	vld.idx.msk [tilespmem:v25+s12+$0x0], $0xffff;
	v18 =	vor.u32 v7, v9;
	v9 =	vmov v14;
	v14 =	vmov v27  }
0x80: {  	v37 =	vor.u32 v5, v10;
	s17 =	sadd.s32 $0x3, s23;
	v33 =	vld.idx.msk [tilespmem:v33+s12+$0x0], $0xffff;
	[tilespmem:s14+$0x20] =	vst v30  }
0x81: {  	v22 =	vor.u32 v7, v11;
	v11 =	vmov v15;
	v20 =	vmov s17;
	[tilespmem:s11+$0x10] =	vst v23;
	v27 =	vld.idx.msk [tilespmem:v21+s12+$0x0], $0xffff  }
.Ltmp0:
0x82: {  	v29 =	vor.u32 v2, v12;
	v15 =	vand.u32 $0x1F, v20;
	[tilespmem:s9+$0x20] =	vst v31;
	v25 =	vld.idx.msk [tilespmem:v34+s12+$0x0], $0xffff;
	(pc) =	sbr.rel @p1 .LBB2_3-.Ltmp0, $4  }
0x83: {  	v20 =	vor.u32 v6, v8;
	v15 =	vbroadcast v15, $0x0;
	v26 =	vld.idx.msk [tilespmem:v24+s12+$0x0], $0xffff;
	[tilespmem:s31+$0x60] =	vst v35  }
0x84: {  	[tilespmem:s10+$0xFFFFFFD0] =	vst v28;
	v24 =	vld.idx.msk [tilespmem:v18+s12+$0x0], $0xffff  }
0x85: {  	v30 =	vor.u32 v0, v15;
	v18 =	vor.u32 v4, v15;
	[tilespmem:s1+$0x10] =	vst v36;
	v21 =	vld.idx.msk [tilespmem:v37+s12+$0x0], $0xffff  }
0x86: {  	v28 =	vor.u32 v4, v9;
	v23 =	vld.idx.msk [tilespmem:v32+s12+$0x0], $0xffff;
	[tilespmem:s2+$0x10] =	vst v33  }
0x87: {  	_ =	sdelay $0x3  }
0x88: {  	v30 =	vld.idx.msk [tilespmem:v30+s12+$0x0], $0xffff  }
0x89: {  	v31 =	vor.u32 v1, v15;
	_ =	sdelay $0x1  }
0x8a: {  	[tilespmem:s14+$0x30] =	vst v27;
	s8 =	sand.u32 $0x380, s8  }
0x8b: {  	[tilespmem:s5+$0x60] =	vst v25;
	s7 =	sor.u32 s8, s7  }
0x8c: {  	[tilespmem:s7+$0x0] =	vst v30  }
0x8d: {  	[tilespmem:s0+$0x30] =	vst v19;
	v54 =	vld.idx.msk [tilespmem:v31+s12+$0x0], $0xffff  }
0x8e: {  	v55 =	vld.idx.msk [tilespmem:v29+s12+$0x0], $0xffff;
	v56 =	vor.u32 v2, v15;
	[tilespmem:s9+$0x30] =	vst v26  }
0x8f: {  	v17 =	vld.idx.msk [tilespmem:v17+s12+$0x0], $0xffff;
	[tilespmem:s31+$0x70] =	vst v24  }
0x90: {  	v57 =	vor.u32 v3, v13;
	v33 =	vld.idx.msk [tilespmem:v20+s12+$0x0], $0xffff;
	[tilespmem:s3+$0x50] =	vst v21  }
0x91: {  	v58 =	vor.u32 v6, v10;
	v22 =	vld.idx.msk [tilespmem:v22+s12+$0x0], $0xffff;
	[tilespmem:s11+$0x20] =	vst v23  }
0x92: {  	v60 =	vor.u32 v3, v14;
	v28 =	vld.idx.msk [tilespmem:v28+s12+$0x0], $0xffff;
	[tilespmem:s7+$0x10] =	vst v54  }
0x93: {  	v59 =	vor.u32 v3, v12;
	[tilespmem:s10+$0xFFFFFFE0] =	vst v55;
	v24 =	vld.idx.msk [tilespmem:v56+s12+$0x0], $0xffff  }
0x94: {  	v62 =	vor.u32 v3, v15;
	v16 =	vld.idx.msk [tilespmem:v16+s12+$0x0], $0xffff;
	[tilespmem:s2+$0x20] =	vst v17  }
0x95: {  	v8 =	vor.u32 v7, v8;
	v61 =	vld.idx.msk [tilespmem:v57+s12+$0x0], $0xffff;
	[tilespmem:s1+$0x20] =	vst v33  }
0x96: {  	v19 =	vld.idx.msk [tilespmem:v58+s12+$0x0], $0xffff;
	v30 =	vor.u32 v5, v9;
	[tilespmem:s5+$0x70] =	vst v22  }
0x97: {  	v63 =	vor.u32 v4, v13;
	[tilespmem:s14+$0x40] =	vst v28;
	v32 =	vld.idx.msk [tilespmem:v60+s12+$0x0], $0xffff  }
0x98: {  	v34 =	vor.u32 v4, v14;
	v23 =	vld.idx.msk [tilespmem:v59+s12+$0x0], $0xffff;
	[tilespmem:s7+$0x20] =	vst v24  }
0x99: {  	v35 =	vor.u32 v4, v12;
	[tilespmem:s9+$0x40] =	vst v16;
	v22 =	vld.idx.msk [tilespmem:v62+s12+$0x0], $0xffff  }
0x9a: {  	v8 =	vld.idx.msk [tilespmem:v8+s12+$0x0], $0xffff;
	[tilespmem:s11+$0x30] =	vst v61  }
0x9b: {  	v37 =	vor.u32 v5, v11;
	[tilespmem:s3+$0x60] =	vst v19;
	v38 =	vld.idx.msk [tilespmem:v30+s12+$0x0], $0xffff  }
0x9c: {  	v31 =	vor.u32 v7, v10;
	v36 =	vld.idx.msk [tilespmem:v63+s12+$0x0], $0xffff;
	[tilespmem:s2+$0x30] =	vst v32  }
0x9d: {  	v40 =	vor.u32 v5, v13;
	[tilespmem:s10+$0xFFFFFFF0] =	vst v23;
	v41 =	vld.idx.msk [tilespmem:v34+s12+$0x0], $0xffff  }
0x9e: {  	v43 =	vor.u32 v5, v14;
	v42 =	vld.idx.msk [tilespmem:v35+s12+$0x0], $0xffff;
	[tilespmem:s7+$0x30] =	vst v22  }
0x9f: {  	v44 =	vor.u32 v5, v12;
	[tilespmem:s1+$0x30] =	vst v8;
	v18 =	vld.idx.msk [tilespmem:v18+s12+$0x0], $0xffff  }
0xa0: {  	v45 =	vor.u32 v5, v15;
	v19 =	vld.idx.msk [tilespmem:v37+s12+$0x0], $0xffff;
	[tilespmem:s14+$0x50] =	vst v38  }
0xa1: {  	v39 =	vor.u32 v6, v9;
	v10 =	vld.idx.msk [tilespmem:v31+s12+$0x0], $0xffff;
	[tilespmem:s11+$0x40] =	vst v36  }
0xa2: {  	v46 =	vor.u32 v6, v11;
	v16 =	vld.idx.msk [tilespmem:v40+s12+$0x0], $0xffff;
	[tilespmem:s2+$0x40] =	vst v41  }
0xa3: {  	v49 =	vor.u32 v6, v13;
	[tilespmem:s10+$0x0] =	vst v42;
	v50 =	vld.idx.msk [tilespmem:v43+s12+$0x0], $0xffff  }
0xa4: {  	v52 =	vor.u32 v6, v14;
	v51 =	vld.idx.msk [tilespmem:v44+s12+$0x0], $0xffff;
	[tilespmem:s7+$0x40] =	vst v18  }
0xa5: {  	v53 =	vor.u32 v6, v12;
	[tilespmem:s9+$0x50] =	vst v19;
	v54 =	vld.idx.msk [tilespmem:v45+s12+$0x0], $0xffff  }
0xa6: {  	v55 =	vor.u32 v6, v15;
	[tilespmem:s3+$0x70] =	vst v10;
	v47 =	vld.idx.msk [tilespmem:v39+s12+$0x0], $0xffff  }
0xa7: {  	v48 =	vor.u32 v7, v9;
	v10 =	vld.idx.msk [tilespmem:v46+s12+$0x0], $0xffff;
	[tilespmem:s11+$0x50] =	vst v16  }
0xa8: {  	v56 =	vor.u32 v7, v11;
	v16 =	vld.idx.msk [tilespmem:v49+s12+$0x0], $0xffff;
	[tilespmem:s2+$0x50] =	vst v50  }
0xa9: {  	v57 =	vor.u32 v7, v13;
	[tilespmem:s10+$0x10] =	vst v51;
	v58 =	vld.idx.msk [tilespmem:v52+s12+$0x0], $0xffff  }
0xaa: {  	v60 =	vor.u32 v7, v14;
	v59 =	vld.idx.msk [tilespmem:v53+s12+$0x0], $0xffff;
	[tilespmem:s7+$0x50] =	vst v54  }
0xab: {  	v61 =	vor.u32 v7, v12;
	[tilespmem:s14+$0x60] =	vst v47;
	v62 =	vld.idx.msk [tilespmem:v55+s12+$0x0], $0xffff  }
0xac: {  	v63 =	vor.u32 v7, v15;
	[tilespmem:s9+$0x60] =	vst v10;
	v9 =	vld.idx.msk [tilespmem:v48+s12+$0x0], $0xffff  }
0xad: {  	v11 =	vld.idx.msk [tilespmem:v56+s12+$0x0], $0xffff;
	[tilespmem:s11+$0x60] =	vst v16  }
0xae: {  	v13 =	vld.idx.msk [tilespmem:v57+s12+$0x0], $0xffff;
	[tilespmem:s2+$0x60] =	vst v58  }
0xaf: {  	[tilespmem:s10+$0x20] =	vst v59;
	v14 =	vld.idx.msk [tilespmem:v60+s12+$0x0], $0xffff  }
0xb0: {  	v10 =	vld.idx.msk [tilespmem:v61+s12+$0x0], $0xffff;
	[tilespmem:s7+$0x60] =	vst v62  }
0xb1: {  	[tilespmem:s14+$0x70] =	vst v9;
	v8 =	vld.idx.msk [tilespmem:v63+s12+$0x0], $0xffff  }
0xb2: {  	p1 =	sne.s32 s29, $0x31;
	[tilespmem:s9+$0x70] =	vst v11  }
.Ltmp1:
0xb3: {  	s23 =	sshll.u32 s29, $0x13;
	[tilespmem:s11+$0x70] =	vst v13;
	(pc) =	sbr.rel @p1 .LBB2_6-.Ltmp1, $4  }
0xb4: {  	s0 =	sor.u32 s6, s23;
	[tilespmem:s2+$0x70] =	vst v14  }
0xb5: {  	s31 =	sshrl.u32 s0, $0x3;
	[tilespmem:s10+$0x30] =	vst v10  }
0xb6: {  	s28 =	simm.s32 $0x16400;
	s0 =	sadd.s32 s24, s31;
	[tilespmem:s7+$0x70] =	vst v8  }
0xb7: {  	[hbm4b:s0+s18] =	stream.strided.scatter [tilespmem:s28], [sflag:$0x5], $0x1000, s19, s18, $0x38;
	[tilespmem:$0x18400] =	vst v63  }
.Ltmp2:
0xb8: {  	(pc) =	sbr.rel .LBB2_7-.Ltmp2, $4  }
0xb9: {  	s0 =	simm.s32 $0x2  }
0xba: {  	_ =	swait.ge [sflag:s0], $0x4000  }
0xbb: {  	[sflag:s0] =	ssyncset.done $0x0  }
0xbc: {  	[sflag:s0] =	ssyncadd.s32 $0xFFFFC000  }
.LBB2_6:
0xbd: {  	s0 =	sshll.u32 s29, $0x9  }
0xbe: {  	s1 =	simm.s32 $0x80;
	s0 =	sand.u32 $0x3FFFFE00, s0  }
.Ltmp3:
0xbf: {  	s28 =	simm.s32 $0x2;
	s0 =	sadd.s32 $0x200, s0;
	(pc) =	sbr.rel @p0 .LBB2_8-.Ltmp3, $4  }
0xc0: {  	[tilespmem:s12], [sflag:$0x1] =	stream.indirect.gather [hbm4b:s4+s1], $0x80, s0, s1, $0xb8;
	[tilespmem:$0x18400] =	vst v63  }
0xc1: {  	_ =	swait.ge [sflag:s28], $0x4000  }
0xc2: {  	[sflag:s28] =	ssyncset.done $0x0  }
0xc3: {  	[sflag:s28] =	ssyncadd.s32 $0xFFFFC000  }
.LBB2_7:
0xc4: {  	_ =	swait.ge [sflag:s22], $0x1000  }
0xc5: {  	[sflag:s22] =	ssyncset.done $0x0  }
0xc6: {  	[sflag:s22] =	ssyncadd.s32 $0xFFFFF000  }
.LBB2_8:
0xc7: {  	s0 =	simm.s32 $0x0  }
0xc8: {  	s7 =	simm.s32 $0x1;
	v8 =	vmov s0  }
0xc9: {  	v9 =	vmov s7;
	v8 =	vand.u32 $0x1C, v8  }
0xca: {  	v16 =	vbroadcast v8, $0x0;
	v8 =	vand.u32 $0x1D, v9  }
0xcb: {  	v17 =	vbroadcast v8, $0x0  }
0xcc: {  	v8 =	vor.u32 v0, v16  }
0xcd: {  	v9 =	vor.u32 v0, v17;
	_ =	sdelay $0x3  }
0xce: {  	v8 =	vld.idx.msk [tilespmem:v8+s13+$0x0], $0xffff  }
0xcf: {  	s8 =	simm.s32 $0x2;
	v10 =	vor.u32 v1, v16;
	v9 =	vld.idx.msk [tilespmem:v9+s13+$0x0], $0xffff  }
0xd0: {  	s9 =	simm.s32 $0x0;
	v11 =	vmov s8;
	v12 =	vor.u32 v1, v17  }
0xd1: {  	s2 =	simm.s32 $0x80;
	s1 =	sand.u32 $0xC00, s9;
	v11 =	vand.u32 $0x1E, v11  }
0xd2: {  	s0 =	simm.s32 $0x17440;
	s2 =	sand.u32 $0x280, s2;
	s1 =	sadd.s32 $0x17400, s1;
	v15 =	vbroadcast v11, $0x0  }
0xd3: {  	s3 =	simm.s32 $0x3;
	s2 =	sor.u32 s2, s1;
	[tilespmem:s0+$0xFFFFFFC0] =	vst v8  }
0xd4: {  	v8 =	vor.u32 v0, v15;
	[tilespmem:s2+$0x0] =	vst v9;
	v9 =	vld.idx.msk [tilespmem:v10+s13+$0x0], $0xffff;
	v10 =	vmov s3  }
0xd5: {  	v11 =	vld.idx.msk [tilespmem:v12+s13+$0x0], $0xffff;
	v12 =	vor.u32 v2, v16;
	v10 =	vand.u32 $0x1F, v10  }
0xd6: {  	v13 =	vor.u32 v2, v17;
	v18 =	vbroadcast v10, $0x0;
	_ =	sdelay $0x1  }
0xd7: {  	s10 =	simm.s32 $0x4;
	v14 =	vor.u32 v0, v18  }
0xd8: {  	v19 =	vld.idx.msk [tilespmem:v8+s13+$0x0], $0xffff;
	v8 =	vmov s10;
	[tilespmem:s0+$0xFFFFFFD0] =	vst v9  }
0xd9: {  	s11 =	simm.s32 $0x5;
	v20 =	vor.u32 v1, v15;
	v8 =	vand.u32 $0x1C, v8;
	[tilespmem:s2+$0x10] =	vst v11;
	v11 =	vld.idx.msk [tilespmem:v12+s13+$0x0], $0xffff  }
0xda: {  	s5 =	simm.s32 $0x100;
	s14 =	simm.s32 $0x6;
	v9 =	vmov s11;
	v8 =	vbroadcast v8, $0x0;
	v12 =	vld.idx.msk [tilespmem:v13+s13+$0x0], $0xffff;
	v13 =	vor.u32 v3, v16  }
0xdb: {  	s5 =	sand.u32 $0x300, s5;
	v22 =	vmov s14;
	v21 =	vor.u32 v3, v17;
	v9 =	vand.u32 $0x1D, v9  }
0xdc: {  	s9 =	sor.u32 s5, s1;
	v10 =	vbroadcast v9, $0x0;
	v9 =	vand.u32 $0x1E, v22;
	v22 =	vor.u32 v0, v8;
	v14 =	vld.idx.msk [tilespmem:v14+s13+$0x0], $0xffff  }
0xdd: {  	v9 =	vbroadcast v9, $0x0;
	[tilespmem:s9+$0x0] =	vst v19;
	v19 =	vor.u32 v1, v18  }
0xde: {  	s17 =	simm.s32 $0x180;
	v23 =	vor.u32 v0, v10;
	v20 =	vld.idx.msk [tilespmem:v20+s13+$0x0], $0xffff;
	[tilespmem:s0+$0xFFFFFFE0] =	vst v11  }
0xdf: {  	s3 =	sand.u32 $0x380, s17;
	v11 =	vor.u32 v0, v9;
	[tilespmem:s2+$0x20] =	vst v12;
	v12 =	vld.idx.msk [tilespmem:v13+s13+$0x0], $0xffff  }
0xe0: {  	s5 =	sor.u32 s3, s1;
	v13 =	vld.idx.msk [tilespmem:v21+s13+$0x0], $0xffff;
	v21 =	vor.u32 v4, v16  }
0xe1: {  	v24 =	vor.u32 v4, v17;
	v22 =	vld.idx.msk [tilespmem:v22+s13+$0x0], $0xffff;
	[tilespmem:s5+$0x0] =	vst v14  }
0xe2: {  	v14 =	vor.u32 v2, v15;
	v19 =	vld.idx.msk [tilespmem:v19+s13+$0x0], $0xffff  }
0xe3: {  	v25 =	vor.u32 v2, v18;
	v23 =	vld.idx.msk [tilespmem:v23+s13+$0x0], $0xffff  }
0xe4: {  	v26 =	vor.u32 v1, v8;
	v11 =	vld.idx.msk [tilespmem:v11+s13+$0x0], $0xffff;
	[tilespmem:s0+$0xFFFFFFF0] =	vst v12  }
0xe5: {  	s20 =	simm.s32 $0x200;
	v12 =	vor.u32 v1, v10;
	[tilespmem:s2+$0x30] =	vst v13;
	v13 =	vld.idx.msk [tilespmem:v21+s13+$0x0], $0xffff  }
0xe6: {  	s23 =	sand.u32 $0xC00, s20;
	s7 =	simm.s32 $0x280;
	[tilespmem:s9+$0x10] =	vst v20;
	v21 =	vor.u32 v5, v16;
	v20 =	vld.idx.msk [tilespmem:v24+s13+$0x0], $0xffff  }
0xe7: {  	s8 =	sand.u32 $0x280, s7;
	s7 =	sadd.s32 $0x17400, s23;
	s1 =	simm.s32 $0x17640;
	v24 =	vor.u32 v1, v9;
	v14 =	vld.idx.msk [tilespmem:v14+s13+$0x0], $0xffff;
	[tilespmem:s5+$0x10] =	vst v19  }
0xe8: {  	s3 =	sor.u32 s8, s7;
	s10 =	simm.s32 $0x300;
	[tilespmem:s1+$0xFFFFFFC0] =	vst v22;
	v19 =	vor.u32 v3, v15;
	v22 =	vld.idx.msk [tilespmem:v25+s13+$0x0], $0xffff  }
0xe9: {  	s10 =	sand.u32 $0x300, s10;
	[tilespmem:s3+$0x0] =	vst v23;
	v23 =	vld.idx.msk [tilespmem:v26+s13+$0x0], $0xffff;
	v25 =	vor.u32 v3, v18  }
0xea: {  	s11 =	simm.s32 $0x7;
	s14 =	sor.u32 s10, s7;
	v12 =	vld.idx.msk [tilespmem:v12+s13+$0x0], $0xffff;
	[tilespmem:s0+$0x0] =	vst v13;
	v13 =	vor.u32 v5, v17  }
0xeb: {  	v27 =	vor.u32 v2, v10;
	v26 =	vmov s11;
	[tilespmem:s14+$0x0] =	vst v11;
	v21 =	vld.idx.msk [tilespmem:v21+s13+$0x0], $0xffff  }
0xec: {  	v11 =	vand.u32 $0x1F, v26;
	v24 =	vld.idx.msk [tilespmem:v24+s13+$0x0], $0xffff;
	[tilespmem:s9+$0x20] =	vst v14;
	v14 =	vor.u32 v2, v8  }
0xed: {  	v11 =	vbroadcast v11, $0x0;
	v19 =	vld.idx.msk [tilespmem:v19+s13+$0x0], $0xffff;
	[tilespmem:s5+$0x20] =	vst v22;
	v22 =	vor.u32 v6, v16  }
0xee: {  	v28 =	vor.u32 v4, v15;
	[tilespmem:s2+$0x40] =	vst v20;
	v20 =	vld.idx.msk [tilespmem:v25+s13+$0x0], $0xffff  }
0xef: {  	s17 =	simm.s32 $0x8;
	v25 =	vor.u32 v0, v11;
	[tilespmem:s3+$0x10] =	vst v12;
	v26 =	vld.idx.msk [tilespmem:v13+s13+$0x0], $0xffff  }
0xf0: {  	s20 =	simm.s32 $0x9;
	v29 =	vor.u32 v4, v18;
	[tilespmem:s1+$0xFFFFFFD0] =	vst v23;
	v12 =	vmov s17;
	v23 =	vld.idx.msk [tilespmem:v27+s13+$0x0], $0xffff  }
0xf1: {  	v12 =	vand.u32 $0x1C, v12;
	v13 =	vmov s20;
	v27 =	vor.u32 v3, v10;
	[tilespmem:s0+$0x10] =	vst v21;
	v21 =	vld.idx.msk [tilespmem:v14+s13+$0x0], $0xffff  }
0xf2: {  	s23 =	simm.s32 $0xA;
	v30 =	vor.u32 v6, v17;
	v12 =	vbroadcast v12, $0x0;
	v13 =	vand.u32 $0x1D, v13;
	[tilespmem:s9+$0x30] =	vst v19;
	v22 =	vld.idx.msk [tilespmem:v22+s13+$0x0], $0xffff  }
0xf3: {  	v14 =	vmov s23;
	v13 =	vbroadcast v13, $0x0;
	v19 =	vor.u32 v3, v8;
	v28 =	vld.idx.msk [tilespmem:v28+s13+$0x0], $0xffff  }
0xf4: {  	v14 =	vand.u32 $0x1E, v14;
	v25 =	vld.idx.msk [tilespmem:v25+s13+$0x0], $0xffff;
	[tilespmem:s5+$0x30] =	vst v20;
	v20 =	vor.u32 v0, v12  }
0xf5: {  	v14 =	vbroadcast v14, $0x0;
	v31 =	vor.u32 v0, v13;
	[tilespmem:s3+$0x20] =	vst v23;
	v23 =	vld.idx.msk [tilespmem:v29+s13+$0x0], $0xffff  }
0xf6: {  	v29 =	vor.u32 v1, v11;
	[tilespmem:s2+$0x50] =	vst v26;
	v27 =	vld.idx.msk [tilespmem:v27+s13+$0x0], $0xffff  }
0xf7: {  	s10 =	simm.s32 $0x380;
	v26 =	vor.u32 v0, v14;
	[tilespmem:s1+$0xFFFFFFE0] =	vst v21;
	v21 =	vld.idx.msk [tilespmem:v30+s13+$0x0], $0xffff  }
0xf8: {  	s8 =	sand.u32 $0x380, s10;
	[tilespmem:s14+$0x10] =	vst v24;
	v24 =	vor.u32 v4, v10;
	v19 =	vld.idx.msk [tilespmem:v19+s13+$0x0], $0xffff  }
0xf9: {  	s10 =	sor.u32 s8, s7;
	v17 =	vor.u32 v7, v17;
	[tilespmem:s9+$0x40] =	vst v28;
	v20 =	vld.idx.msk [tilespmem:v20+s13+$0x0], $0xffff  }
0xfa: {  	v28 =	vor.u32 v5, v15;
	[tilespmem:s10+$0x0] =	vst v25;
	v25 =	vld.idx.msk [tilespmem:v31+s13+$0x0], $0xffff  }
0xfb: {  	v30 =	vor.u32 v5, v18;
	v29 =	vld.idx.msk [tilespmem:v29+s13+$0x0], $0xffff;
	[tilespmem:s5+$0x40] =	vst v23  }
0xfc: {  	v23 =	vld.idx.msk [tilespmem:v26+s13+$0x0], $0xffff;
	v26 =	vor.u32 v4, v8;
	[tilespmem:s3+$0x30] =	vst v27  }
0xfd: {  	s11 =	simm.s32 $0x400;
	v27 =	vor.u32 v1, v12;
	[tilespmem:s2+$0x60] =	vst v21;
	v24 =	vld.idx.msk [tilespmem:v24+s13+$0x0], $0xffff  }
0xfe: {  	s28 =	simm.s32 $0x17840;
	s7 =	sand.u32 $0xC00, s11;
	s17 =	simm.s32 $0x480;
	v21 =	vor.u32 v2, v9;
	[tilespmem:s1+$0xFFFFFFF0] =	vst v19;
	v17 =	vld.idx.msk [tilespmem:v17+s13+$0x0], $0xffff  }
0xff: {  	s7 =	sadd.s32 $0x17400, s7;
	s8 =	sand.u32 $0x280, s17;
	v19 =	vor.u32 v1, v13;
	[tilespmem:s28+$0xFFFFFFC0] =	vst v20;
	v20 =	vld.idx.msk [tilespmem:v28+s13+$0x0], $0xffff  }
0x100: {  	v16 =	vor.u32 v7, v16;
	s11 =	sor.u32 s8, s7;
	[tilespmem:s0+$0x20] =	vst v22;
	v28 =	vld.idx.msk [tilespmem:v30+s13+$0x0], $0xffff  }
0x101: {  	[tilespmem:s11+$0x0] =	vst v25;
	v25 =	vor.u32 v2, v11;
	v26 =	vld.idx.msk [tilespmem:v26+s13+$0x0], $0xffff  }
0x102: {  	v22 =	vor.u32 v6, v15;
	[tilespmem:s10+$0x10] =	vst v29;
	v30 =	vld.idx.msk [tilespmem:v27+s13+$0x0], $0xffff  }
0x103: {  	v27 =	vor.u32 v5, v8;
	v21 =	vld.idx.msk [tilespmem:v21+s13+$0x0], $0xffff;
	[tilespmem:s3+$0x40] =	vst v24  }
0x104: {  	v32 =	vor.u32 v5, v10;
	v29 =	vld.idx.msk [tilespmem:v19+s13+$0x0], $0xffff;
	[tilespmem:s2+$0x70] =	vst v17  }
0x105: {  	s20 =	simm.s32 $0x500;
	v24 =	vor.u32 v1, v14;
	v19 =	vld.idx.msk [tilespmem:v16+s13+$0x0], $0xffff;
	[tilespmem:s9+$0x50] =	vst v20  }
0x106: {  	v17 =	vor.u32 v3, v9;
	s2 =	sand.u32 $0x300, s20;
	v25 =	vld.idx.msk [tilespmem:v25+s13+$0x0], $0xffff;
	[tilespmem:s5+$0x50] =	vst v28  }
0x107: {  	s2 =	sor.u32 s2, s7;
	v20 =	vor.u32 v6, v18;
	v22 =	vld.idx.msk [tilespmem:v22+s13+$0x0], $0xffff;
	[tilespmem:s1+$0x0] =	vst v26  }
0x108: {  	[tilespmem:s2+$0x0] =	vst v23;
	v26 =	vor.u32 v3, v11;
	v23 =	vld.idx.msk [tilespmem:v27+s13+$0x0], $0xffff  }
0x109: {  	s23 =	simm.s32 $0xB;
	v28 =	vor.u32 v7, v15;
	[tilespmem:s14+$0x20] =	vst v21;
	v21 =	vld.idx.msk [tilespmem:v32+s13+$0x0], $0xffff  }
0x10a: {  	v33 =	vor.u32 v2, v13;
	v15 =	vmov s23;
	[tilespmem:s28+$0xFFFFFFD0] =	vst v30;
	v31 =	vld.idx.msk [tilespmem:v24+s13+$0x0], $0xffff  }
0x10b: {  	v15 =	vand.u32 $0x1F, v15;
	[tilespmem:s11+$0x10] =	vst v29;
	v27 =	vld.idx.msk [tilespmem:v17+s13+$0x0], $0xffff  }
0x10c: {  	v16 =	vor.u32 v4, v11;
	v15 =	vbroadcast v15, $0x0;
	v29 =	vor.u32 v2, v12;
	[tilespmem:s10+$0x20] =	vst v25;
	v25 =	vld.idx.msk [tilespmem:v20+s13+$0x0], $0xffff  }
0x10d: {  	v17 =	vor.u32 v2, v14;
	v20 =	vor.u32 v6, v8;
	v26 =	vld.idx.msk [tilespmem:v26+s13+$0x0], $0xffff;
	[tilespmem:s9+$0x60] =	vst v22  }
0x10e: {  	v30 =	vor.u32 v0, v15;
	v22 =	vor.u32 v7, v18;
	v24 =	vld.idx.msk [tilespmem:v28+s13+$0x0], $0xffff;
	[tilespmem:s1+$0x10] =	vst v23  }
0x10f: {  	s8 =	simm.s32 $0x580;
	s20 =	simm.s32 $0xC;
	v18 =	vor.u32 v4, v15;
	v23 =	vld.idx.msk [tilespmem:v33+s13+$0x0], $0xffff;
	v28 =	vor.u32 v4, v9;
	[tilespmem:s2+$0x10] =	vst v31  }
.LBB2_9:
0x110: {  	s17 =	sadd.s32 $0x1, s20  }
0x111: {  	v31 =	vmov s20;
	p0 =	slt.u32 s20, $0x1C;
	v29 =	vld.idx.msk [tilespmem:v29+s13+$0x0], $0xffff;
	v32 =	vor.u32 v6, v10;
	[tilespmem:s14+$0x30] =	vst v27;
	s23 =	smov.u32 s20;
	s20 =	sadd.s32 $0x4, s20  }
0x112: {  	v33 =	vor.u32 v3, v13;
	v27 =	vand.u32 $0x1C, v31;
	v31 =	vmov s17;
	s17 =	sadd.s32 $0x2, s23;
	v20 =	vld.idx.msk [tilespmem:v20+s13+$0x0], $0xffff;
	[tilespmem:s5+$0x60] =	vst v25  }
0x113: {  	v25 =	vbroadcast v27, $0x0;
	v27 =	vand.u32 $0x1D, v31;
	v31 =	vmov s17;
	[tilespmem:s10+$0x30] =	vst v26;
	v22 =	vld.idx.msk [tilespmem:v22+s13+$0x0], $0xffff  }
0x114: {  	v26 =	vbroadcast v27, $0x0;
	v27 =	vand.u32 $0x1E, v31;
	v31 =	vor.u32 v3, v12;
	v30 =	vld.idx.msk [tilespmem:v30+s13+$0x0], $0xffff;
	[tilespmem:s9+$0x70] =	vst v24;
	s9 =	smov.u32 s14;
	s14 =	smov.u32 s2  }
0x115: {  	v24 =	vor.u32 v0, v25;
	v27 =	vbroadcast v27, $0x0;
	v28 =	vld.idx.msk [tilespmem:v28+s13+$0x0], $0xffff;
	[tilespmem:s0+$0x30] =	vst v19;
	s0 =	smov.u32 s1;
	s1 =	smov.u32 s28  }
0x116: {  	v19 =	vor.u32 v0, v26;
	[tilespmem:s11+$0x20] =	vst v23;
	v23 =	vld.idx.msk [tilespmem:v16+s13+$0x0], $0xffff;
	v16 =	vmov v18  }
0x117: {  	v34 =	vor.u32 v1, v15;
	v18 =	vor.u32 v0, v27;
	v33 =	vld.idx.msk [tilespmem:v33+s13+$0x0], $0xffff;
	[tilespmem:s3+$0x50] =	vst v21  }
0x118: {  	s2 =	sand.u32 $0x380, s8;
	[tilespmem:s28+$0xFFFFFFE0] =	vst v29;
	v21 =	vld.idx.msk [tilespmem:v32+s13+$0x0], $0xffff  }
0x119: {  	v29 =	vld.idx.msk [tilespmem:v31+s13+$0x0], $0xffff;
	v31 =	vor.u32 v4, v13;
	[tilespmem:s5+$0x70] =	vst v22;
	s5 =	smov.u32 s10;
	s10 =	sor.u32 s2, s7  }
0x11a: {  	v22 =	vld.idx.msk [tilespmem:v24+s13+$0x0], $0xffff;
	[tilespmem:s10+$0x0] =	vst v30;
	v24 =	vor.u32 v7, v10;
	v10 =	vmov v13;
	v13 =	vmov v26  }
0x11b: {  	v26 =	vor.u32 v5, v9;
	v19 =	vld.idx.msk [tilespmem:v19+s13+$0x0], $0xffff;
	[tilespmem:s9+$0x40] =	vst v28;
	v28 =	vor.u32 v5, v11  }
0x11c: {  	s8 =	sadd.s32 $0x200, s8;
	v30 =	vor.u32 v1, v25;
	v32 =	vld.idx.msk [tilespmem:v34+s13+$0x0], $0xffff;
	[tilespmem:s5+$0x40] =	vst v23  }
0x11d: {  	s2 =	sadd.s32 $0xFFFFFE80, s8;
	v23 =	vor.u32 v1, v13;
	v34 =	vor.u32 v4, v12;
	v18 =	vld.idx.msk [tilespmem:v18+s13+$0x0], $0xffff;
	[tilespmem:s11+$0x30] =	vst v33  }
0x11e: {  	s28 =	sadd.s32 $0x200, s28;
	s7 =	sadd.s32 $0xFFFFFF00, s8;
	s2 =	sand.u32 $0xC00, s2;
	v33 =	vor.u32 v1, v27;
	v31 =	vld.idx.msk [tilespmem:v31+s13+$0x0], $0xffff;
	[tilespmem:s3+$0x60] =	vst v21  }
0x11f: {  	s17 =	sand.u32 $0x280, s7;
	s7 =	sadd.s32 $0x17400, s2;
	s2 =	sadd.s32 $0xFFFFFF80, s8;
	[tilespmem:s1+$0xFFFFFFF0] =	vst v29;
	v21 =	vld.idx.msk [tilespmem:v24+s13+$0x0], $0xffff  }
0x120: {  	s17 =	sor.u32 s17, s7;
	s2 =	sand.u32 $0x300, s2;
	[tilespmem:s28+$0xFFFFFFC0] =	vst v22;
	v22 =	vld.idx.msk [tilespmem:v26+s13+$0x0], $0xffff  }
0x121: {  	s2 =	sor.u32 s2, s7;
	[tilespmem:s17+$0x0] =	vst v19;
	v19 =	vor.u32 v2, v15;
	v24 =	vld.idx.msk [tilespmem:v28+s13+$0x0], $0xffff  }
0x122: {  	v26 =	vld.idx.msk [tilespmem:v34+s13+$0x0], $0xffff;
	[tilespmem:s0+$0x20] =	vst v20;
	v20 =	vor.u32 v6, v9  }
0x123: {  	v29 =	vor.u32 v7, v8;
	v8 =	vmov v12;
	v12 =	vmov v25;
	v28 =	vld.idx.msk [tilespmem:v30+s13+$0x0], $0xffff;
	[tilespmem:s10+$0x10] =	vst v32  }
0x124: {  	v25 =	vor.u32 v5, v8;
	v32 =	vor.u32 v2, v13;
	[tilespmem:s11+$0x40] =	vst v31;
	v30 =	vld.idx.msk [tilespmem:v17+s13+$0x0], $0xffff  }
0x125: {  	v17 =	vor.u32 v2, v27;
	v23 =	vld.idx.msk [tilespmem:v23+s13+$0x0], $0xffff;
	[tilespmem:s3+$0x70] =	vst v21;
	s3 =	smov.u32 s11;
	s11 =	smov.u32 s17  }
0x126: {  	v34 =	vor.u32 v6, v11;
	v21 =	vor.u32 v3, v14;
	v31 =	vld.idx.msk [tilespmem:v19+s13+$0x0], $0xffff;
	[tilespmem:s9+$0x50] =	vst v22  }
0x127: {  	v35 =	vld.idx.msk [tilespmem:v20+s13+$0x0], $0xffff;
	[tilespmem:s5+$0x50] =	vst v24  }
0x128: {  	v24 =	vor.u32 v3, v15;
	[tilespmem:s1+$0x0] =	vst v26;
	v19 =	vld.idx.msk [tilespmem:v29+s13+$0x0], $0xffff  }
0x129: {  	[tilespmem:s2+$0x0] =	vst v18;
	v36 =	vld.idx.msk [tilespmem:v25+s13+$0x0], $0xffff;
	v18 =	vor.u32 v7, v9;
	v9 =	vmov v14;
	v14 =	vmov v27  }
0x12a: {  	v37 =	vor.u32 v5, v10;
	s17 =	sadd.s32 $0x3, s23;
	v33 =	vld.idx.msk [tilespmem:v33+s13+$0x0], $0xffff;
	[tilespmem:s14+$0x20] =	vst v30  }
0x12b: {  	v22 =	vor.u32 v7, v11;
	v11 =	vmov v15;
	v20 =	vmov s17;
	[tilespmem:s11+$0x10] =	vst v23;
	v27 =	vld.idx.msk [tilespmem:v21+s13+$0x0], $0xffff  }
.Ltmp4:
0x12c: {  	v29 =	vor.u32 v2, v12;
	v15 =	vand.u32 $0x1F, v20;
	[tilespmem:s10+$0x20] =	vst v31;
	v25 =	vld.idx.msk [tilespmem:v34+s13+$0x0], $0xffff;
	(pc) =	sbr.rel @p0 .LBB2_9-.Ltmp4, $4  }
0x12d: {  	v20 =	vor.u32 v6, v8;
	v15 =	vbroadcast v15, $0x0;
	v26 =	vld.idx.msk [tilespmem:v24+s13+$0x0], $0xffff;
	[tilespmem:s9+$0x60] =	vst v35  }
0x12e: {  	[tilespmem:s28+$0xFFFFFFD0] =	vst v28;
	v24 =	vld.idx.msk [tilespmem:v18+s13+$0x0], $0xffff  }
0x12f: {  	v30 =	vor.u32 v0, v15;
	v18 =	vor.u32 v4, v15;
	[tilespmem:s1+$0x10] =	vst v36;
	v21 =	vld.idx.msk [tilespmem:v37+s13+$0x0], $0xffff  }
0x130: {  	v28 =	vor.u32 v4, v9;
	v23 =	vld.idx.msk [tilespmem:v32+s13+$0x0], $0xffff;
	[tilespmem:s2+$0x10] =	vst v33  }
0x131: {  	_ =	sdelay $0x3  }
0x132: {  	v30 =	vld.idx.msk [tilespmem:v30+s13+$0x0], $0xffff  }
0x133: {  	v31 =	vor.u32 v1, v15;
	_ =	sdelay $0x1  }
0x134: {  	[tilespmem:s14+$0x30] =	vst v27;
	s8 =	sand.u32 $0x380, s8  }
0x135: {  	[tilespmem:s5+$0x60] =	vst v25;
	s7 =	sor.u32 s8, s7  }
0x136: {  	[tilespmem:s7+$0x0] =	vst v30  }
0x137: {  	[tilespmem:s10+$0x30] =	vst v26;
	v25 =	vld.idx.msk [tilespmem:v31+s13+$0x0], $0xffff  }
0x138: {  	v26 =	vld.idx.msk [tilespmem:v29+s13+$0x0], $0xffff;
	[tilespmem:s9+$0x70] =	vst v24;
	v24 =	vor.u32 v2, v15  }
0x139: {  	[tilespmem:s0+$0x30] =	vst v19;
	v19 =	vor.u32 v6, v10;
	v22 =	vld.idx.msk [tilespmem:v22+s13+$0x0], $0xffff  }
0x13a: {  	v17 =	vld.idx.msk [tilespmem:v17+s13+$0x0], $0xffff;
	[tilespmem:s11+$0x20] =	vst v23;
	v23 =	vor.u32 v3, v12  }
0x13b: {  	v27 =	vor.u32 v3, v13;
	v28 =	vld.idx.msk [tilespmem:v28+s13+$0x0], $0xffff;
	[tilespmem:s3+$0x50] =	vst v21  }
0x13c: {  	v16 =	vld.idx.msk [tilespmem:v16+s13+$0x0], $0xffff;
	v21 =	vor.u32 v3, v14;
	[tilespmem:s7+$0x10] =	vst v25  }
0x13d: {  	[tilespmem:s28+$0xFFFFFFE0] =	vst v26;
	v24 =	vld.idx.msk [tilespmem:v24+s13+$0x0], $0xffff  }
0x13e: {  	v19 =	vld.idx.msk [tilespmem:v19+s13+$0x0], $0xffff;
	[tilespmem:s5+$0x70] =	vst v22;
	v22 =	vor.u32 v3, v15  }
0x13f: {  	v10 =	vor.u32 v7, v10;
	[tilespmem:s2+$0x20] =	vst v17;
	v23 =	vld.idx.msk [tilespmem:v23+s13+$0x0], $0xffff  }
0x140: {  	[tilespmem:s14+$0x40] =	vst v28;
	v25 =	vld.idx.msk [tilespmem:v27+s13+$0x0], $0xffff;
	v27 =	vor.u32 v5, v9  }
0x141: {  	v26 =	vor.u32 v4, v13;
	[tilespmem:s10+$0x40] =	vst v16;
	v16 =	vld.idx.msk [tilespmem:v21+s13+$0x0], $0xffff  }
0x142: {  	v17 =	vld.idx.msk [tilespmem:v20+s13+$0x0], $0xffff;
	v20 =	vor.u32 v4, v14;
	[tilespmem:s7+$0x20] =	vst v24  }
0x143: {  	v21 =	vor.u32 v4, v12;
	[tilespmem:s3+$0x60] =	vst v19;
	v22 =	vld.idx.msk [tilespmem:v22+s13+$0x0], $0xffff  }
0x144: {  	v10 =	vld.idx.msk [tilespmem:v10+s13+$0x0], $0xffff;
	[tilespmem:s28+$0xFFFFFFF0] =	vst v23  }
0x145: {  	v19 =	vor.u32 v5, v11;
	[tilespmem:s11+$0x30] =	vst v25;
	v23 =	vld.idx.msk [tilespmem:v27+s13+$0x0], $0xffff  }
0x146: {  	[tilespmem:s2+$0x30] =	vst v16;
	v25 =	vor.u32 v6, v9;
	v24 =	vld.idx.msk [tilespmem:v26+s13+$0x0], $0xffff  }
0x147: {  	[tilespmem:s1+$0x20] =	vst v17;
	v16 =	vor.u32 v5, v13;
	v17 =	vld.idx.msk [tilespmem:v20+s13+$0x0], $0xffff  }
0x148: {  	v20 =	vld.idx.msk [tilespmem:v21+s13+$0x0], $0xffff;
	v21 =	vor.u32 v5, v14;
	[tilespmem:s7+$0x30] =	vst v22  }
0x149: {  	[tilespmem:s3+$0x70] =	vst v10;
	v22 =	vor.u32 v5, v12;
	v18 =	vld.idx.msk [tilespmem:v18+s13+$0x0], $0xffff  }
0x14a: {  	v19 =	vld.idx.msk [tilespmem:v19+s13+$0x0], $0xffff;
	[tilespmem:s14+$0x50] =	vst v23;
	v23 =	vor.u32 v5, v15  }
0x14b: {  	v10 =	vor.u32 v6, v11;
	[tilespmem:s11+$0x40] =	vst v24;
	v24 =	vld.idx.msk [tilespmem:v25+s13+$0x0], $0xffff  }
0x14c: {  	v9 =	vor.u32 v7, v9;
	[tilespmem:s2+$0x40] =	vst v17;
	v16 =	vld.idx.msk [tilespmem:v16+s13+$0x0], $0xffff  }
0x14d: {  	v17 =	vor.u32 v6, v13;
	[tilespmem:s28+$0x0] =	vst v20;
	v20 =	vld.idx.msk [tilespmem:v21+s13+$0x0], $0xffff  }
0x14e: {  	v21 =	vld.idx.msk [tilespmem:v22+s13+$0x0], $0xffff;
	[tilespmem:s7+$0x40] =	vst v18;
	v18 =	vor.u32 v6, v14  }
0x14f: {  	[tilespmem:s10+$0x50] =	vst v19;
	v19 =	vor.u32 v6, v12;
	v22 =	vld.idx.msk [tilespmem:v23+s13+$0x0], $0xffff  }
0x150: {  	v10 =	vld.idx.msk [tilespmem:v10+s13+$0x0], $0xffff;
	[tilespmem:s14+$0x60] =	vst v24;
	v23 =	vor.u32 v6, v15  }
0x151: {  	v8 =	vor.u32 v7, v8;
	v9 =	vld.idx.msk [tilespmem:v9+s13+$0x0], $0xffff;
	[tilespmem:s11+$0x50] =	vst v16  }
0x152: {  	v11 =	vor.u32 v7, v11;
	[tilespmem:s2+$0x50] =	vst v20;
	v16 =	vld.idx.msk [tilespmem:v17+s13+$0x0], $0xffff  }
0x153: {  	v13 =	vor.u32 v7, v13;
	[tilespmem:s28+$0x10] =	vst v21;
	v17 =	vld.idx.msk [tilespmem:v18+s13+$0x0], $0xffff  }
0x154: {  	v14 =	vor.u32 v7, v14;
	v18 =	vld.idx.msk [tilespmem:v19+s13+$0x0], $0xffff;
	[tilespmem:s7+$0x50] =	vst v22  }
0x155: {  	[tilespmem:s10+$0x60] =	vst v10;
	v10 =	vor.u32 v7, v12;
	v12 =	vld.idx.msk [tilespmem:v23+s13+$0x0], $0xffff  }
0x156: {  	v8 =	vld.idx.msk [tilespmem:v8+s13+$0x0], $0xffff;
	[tilespmem:s14+$0x70] =	vst v9;
	v9 =	vor.u32 v7, v15  }
0x157: {  	v11 =	vld.idx.msk [tilespmem:v11+s13+$0x0], $0xffff;
	[tilespmem:s11+$0x60] =	vst v16  }
0x158: {  	v13 =	vld.idx.msk [tilespmem:v13+s13+$0x0], $0xffff;
	[tilespmem:s2+$0x60] =	vst v17  }
0x159: {  	[tilespmem:s28+$0x20] =	vst v18;
	v14 =	vld.idx.msk [tilespmem:v14+s13+$0x0], $0xffff  }
0x15a: {  	v10 =	vld.idx.msk [tilespmem:v10+s13+$0x0], $0xffff;
	[tilespmem:s7+$0x60] =	vst v12  }
0x15b: {  	[tilespmem:s1+$0x30] =	vst v8;
	v8 =	vld.idx.msk [tilespmem:v9+s13+$0x0], $0xffff  }
0x15c: {  	[tilespmem:s10+$0x70] =	vst v11  }
0x15d: {  	[tilespmem:s11+$0x70] =	vst v13  }
0x15e: {  	[tilespmem:s2+$0x70] =	vst v14  }
0x15f: {  	[tilespmem:s28+$0x30] =	vst v10  }
0x160: {  	[tilespmem:s7+$0x70] =	vst v8  }
0x161: {  	s0 =	rddreg [dreg:$0x4]  }
0x162: {  	p0 =	seq.s32 s29, $0x31;
	s0 =	sadd.s32 s31, s0  }
0x163: {  	[hbm4b:s0+s18] =	stream.strided.scatter [tilespmem:s21], [sflag:$0x6], $0x1000, s19, s18, $0x38;
	[tilespmem:$0x18400] =	vst v63  }
0x164: {  	s11 =	simm.s32 $0x0;
	s0 =	sshll.u32 @!p0 s29, $0x9  }
0x165: {  	s17 =	simm.s32 $0x3;
	s14 =	simm.s32 $0x1;
	v8 =	vmov s11;
	s1 =	sand.u32 @!p0 $0x3FFFFE00, s0  }
0x166: {  	s5 =	simm.s32 @!p0 $0xA400;
	s3 =	simm.s32 @!p0 $0x80;
	v9 =	vmov s14;
	v8 =	vand.u32 $0x1C, v8;
	s2 =	sadd.s32 @!p0 $0x280, s1  }
0x167: {  	v15 =	vbroadcast v8, $0x0;
	v8 =	vand.u32 $0x1D, v9;
	[tilespmem:s5], [sflag:$0x2] =	stream.indirect.gather @!p0 [hbm4b:s4+s3], $0x80, s2, s3, $0xb8;
	[tilespmem:$0x18400] =	vst v63  }
0x168: {  	v17 =	vbroadcast v8, $0x0;
	_ =	swait.ge [sflag:s17], $0x4000  }
0x169: {  	v8 =	vor.u32 v0, v15;
	[sflag:s17] =	ssyncset.done $0x0  }
0x16a: {  	v9 =	vor.u32 v0, v17;
	[sflag:s17] =	ssyncadd.s32 $0xFFFFC000  }
0x16b: {  	_ =	swait.ge [sflag:s25], $0x1000  }
0x16c: {  	[sflag:s25] =	ssyncset.done $0x0  }
0x16d: {  	[sflag:s25] =	ssyncadd.s32 $0xFFFFF000  }
0x16e: {  	v8 =	vld.idx.msk [tilespmem:v8+s15+$0x0], $0xffff  }
0x16f: {  	s20 =	simm.s32 $0x2;
	v10 =	vor.u32 v1, v15;
	v9 =	vld.idx.msk [tilespmem:v9+s15+$0x0], $0xffff  }
0x170: {  	v11 =	vmov s20;
	s21 =	simm.s32 $0x0;
	v12 =	vor.u32 v1, v17  }
0x171: {  	s23 =	simm.s32 $0x80;
	v11 =	vand.u32 $0x1E, v11;
	s0 =	sand.u32 $0xC00, s21  }
0x172: {  	v16 =	vbroadcast v11, $0x0;
	s14 =	simm.s32 $0x16440;
	s0 =	sadd.s32 $0x16400, s0;
	s2 =	sand.u32 $0x280, s23  }
0x173: {  	s3 =	simm.s32 $0x3;
	s7 =	sor.u32 s2, s0;
	[tilespmem:s14+$0xFFFFFFC0] =	vst v8  }
0x174: {  	v8 =	vor.u32 v0, v16;
	[tilespmem:s7+$0x0] =	vst v9;
	v9 =	vld.idx.msk [tilespmem:v10+s15+$0x0], $0xffff;
	v10 =	vmov s3  }
0x175: {  	v11 =	vld.idx.msk [tilespmem:v12+s15+$0x0], $0xffff;
	v12 =	vor.u32 v2, v15;
	v10 =	vand.u32 $0x1F, v10  }
0x176: {  	v13 =	vor.u32 v2, v17;
	v18 =	vbroadcast v10, $0x0;
	_ =	sdelay $0x1  }
0x177: {  	s5 =	simm.s32 $0x4;
	v14 =	vor.u32 v0, v18  }
0x178: {  	v19 =	vld.idx.msk [tilespmem:v8+s15+$0x0], $0xffff;
	v8 =	vmov s5;
	[tilespmem:s14+$0xFFFFFFD0] =	vst v9  }
0x179: {  	s8 =	simm.s32 $0x5;
	v20 =	vor.u32 v1, v16;
	[tilespmem:s7+$0x10] =	vst v11;
	v8 =	vand.u32 $0x1C, v8;
	v11 =	vld.idx.msk [tilespmem:v12+s15+$0x0], $0xffff  }
0x17a: {  	s9 =	simm.s32 $0x100;
	s10 =	simm.s32 $0x6;
	v9 =	vmov s8;
	v12 =	vld.idx.msk [tilespmem:v13+s15+$0x0], $0xffff;
	v8 =	vbroadcast v8, $0x0;
	v13 =	vor.u32 v3, v15  }
0x17b: {  	v22 =	vmov s10;
	v21 =	vor.u32 v3, v17;
	s3 =	sand.u32 $0x300, s9;
	v9 =	vand.u32 $0x1D, v9  }
0x17c: {  	s10 =	sor.u32 s3, s0;
	v10 =	vbroadcast v9, $0x0;
	v9 =	vand.u32 $0x1E, v22;
	v22 =	vor.u32 v0, v8;
	v14 =	vld.idx.msk [tilespmem:v14+s15+$0x0], $0xffff  }
0x17d: {  	v9 =	vbroadcast v9, $0x0;
	[tilespmem:s10+$0x0] =	vst v19;
	v19 =	vor.u32 v1, v18  }
0x17e: {  	s11 =	simm.s32 $0x180;
	v23 =	vor.u32 v0, v10;
	v20 =	vld.idx.msk [tilespmem:v20+s15+$0x0], $0xffff;
	[tilespmem:s14+$0xFFFFFFE0] =	vst v11  }
0x17f: {  	s2 =	sand.u32 $0x380, s11;
	[tilespmem:s7+$0x20] =	vst v12;
	v11 =	vor.u32 v0, v9;
	v12 =	vld.idx.msk [tilespmem:v13+s15+$0x0], $0xffff  }
0x180: {  	s9 =	sor.u32 s2, s0;
	v13 =	vld.idx.msk [tilespmem:v21+s15+$0x0], $0xffff;
	v21 =	vor.u32 v4, v15  }
0x181: {  	v24 =	vor.u32 v4, v17;
	v22 =	vld.idx.msk [tilespmem:v22+s15+$0x0], $0xffff;
	[tilespmem:s9+$0x0] =	vst v14  }
0x182: {  	v14 =	vor.u32 v2, v16;
	v19 =	vld.idx.msk [tilespmem:v19+s15+$0x0], $0xffff  }
0x183: {  	v25 =	vor.u32 v2, v18;
	v23 =	vld.idx.msk [tilespmem:v23+s15+$0x0], $0xffff;
	[tilespmem:s10+$0x10] =	vst v20  }
0x184: {  	s17 =	simm.s32 $0x200;
	v26 =	vor.u32 v1, v8;
	v11 =	vld.idx.msk [tilespmem:v11+s15+$0x0], $0xffff;
	[tilespmem:s14+$0xFFFFFFF0] =	vst v12  }
0x185: {  	s21 =	simm.s32 $0x280;
	s20 =	sand.u32 $0xC00, s17;
	s0 =	simm.s32 $0x16640;
	v12 =	vor.u32 v1, v10;
	[tilespmem:s7+$0x30] =	vst v13;
	v13 =	vld.idx.msk [tilespmem:v21+s15+$0x0], $0xffff  }
0x186: {  	s23 =	simm.s32 $0x300;
	s2 =	sadd.s32 $0x16400, s20;
	s3 =	sand.u32 $0x280, s21;
	v20 =	vld.idx.msk [tilespmem:v24+s15+$0x0], $0xffff;
	v24 =	vor.u32 v1, v9;
	[tilespmem:s0+$0xFFFFFFC0] =	vst v22  }
0x187: {  	s11 =	sand.u32 $0x300, s23;
	s5 =	sor.u32 s3, s2;
	v21 =	vor.u32 v5, v15;
	v14 =	vld.idx.msk [tilespmem:v14+s15+$0x0], $0xffff;
	[tilespmem:s9+$0x10] =	vst v19  }
0x188: {  	s3 =	sor.u32 s11, s2;
	[tilespmem:s5+$0x0] =	vst v23;
	v19 =	vor.u32 v3, v16;
	v22 =	vld.idx.msk [tilespmem:v25+s15+$0x0], $0xffff  }
0x189: {  	v23 =	vld.idx.msk [tilespmem:v26+s15+$0x0], $0xffff;
	v25 =	vor.u32 v3, v18;
	[tilespmem:s3+$0x0] =	vst v11  }
0x18a: {  	s17 =	simm.s32 $0x7;
	v12 =	vld.idx.msk [tilespmem:v12+s15+$0x0], $0xffff;
	[tilespmem:s14+$0x0] =	vst v13;
	v13 =	vor.u32 v5, v17  }
0x18b: {  	v27 =	vor.u32 v2, v10;
	v26 =	vmov s17;
	v24 =	vld.idx.msk [tilespmem:v24+s15+$0x0], $0xffff  }
0x18c: {  	v11 =	vand.u32 $0x1F, v26;
	v21 =	vld.idx.msk [tilespmem:v21+s15+$0x0], $0xffff;
	[tilespmem:s10+$0x20] =	vst v14;
	v14 =	vor.u32 v2, v8  }
0x18d: {  	v11 =	vbroadcast v11, $0x0;
	v19 =	vld.idx.msk [tilespmem:v19+s15+$0x0], $0xffff;
	[tilespmem:s9+$0x20] =	vst v22;
	v22 =	vor.u32 v6, v15  }
0x18e: {  	v28 =	vor.u32 v4, v16;
	[tilespmem:s7+$0x40] =	vst v20;
	v20 =	vld.idx.msk [tilespmem:v25+s15+$0x0], $0xffff  }
0x18f: {  	s20 =	simm.s32 $0x8;
	v25 =	vor.u32 v0, v11;
	[tilespmem:s5+$0x10] =	vst v12;
	v26 =	vld.idx.msk [tilespmem:v13+s15+$0x0], $0xffff  }
0x190: {  	s21 =	simm.s32 $0x9;
	v29 =	vor.u32 v4, v18;
	[tilespmem:s0+$0xFFFFFFD0] =	vst v23;
	v12 =	vmov s20;
	v23 =	vld.idx.msk [tilespmem:v27+s15+$0x0], $0xffff  }
0x191: {  	v12 =	vand.u32 $0x1C, v12;
	v13 =	vmov s21;
	v27 =	vor.u32 v3, v10;
	[tilespmem:s14+$0x10] =	vst v21;
	v21 =	vld.idx.msk [tilespmem:v14+s15+$0x0], $0xffff  }
0x192: {  	v30 =	vor.u32 v6, v17;
	s23 =	simm.s32 $0xA;
	v12 =	vbroadcast v12, $0x0;
	v13 =	vand.u32 $0x1D, v13;
	[tilespmem:s10+$0x30] =	vst v19;
	v22 =	vld.idx.msk [tilespmem:v22+s15+$0x0], $0xffff  }
0x193: {  	v14 =	vmov s23;
	v13 =	vbroadcast v13, $0x0;
	v19 =	vor.u32 v3, v8;
	v28 =	vld.idx.msk [tilespmem:v28+s15+$0x0], $0xffff  }
0x194: {  	v14 =	vand.u32 $0x1E, v14;
	v25 =	vld.idx.msk [tilespmem:v25+s15+$0x0], $0xffff;
	[tilespmem:s9+$0x30] =	vst v20;
	v20 =	vor.u32 v0, v12  }
0x195: {  	v14 =	vbroadcast v14, $0x0;
	v31 =	vor.u32 v0, v13;
	[tilespmem:s5+$0x20] =	vst v23;
	v23 =	vld.idx.msk [tilespmem:v29+s15+$0x0], $0xffff  }
0x196: {  	v29 =	vor.u32 v1, v11;
	[tilespmem:s7+$0x50] =	vst v26;
	v27 =	vld.idx.msk [tilespmem:v27+s15+$0x0], $0xffff  }
0x197: {  	s11 =	simm.s32 $0x380;
	v26 =	vor.u32 v0, v14;
	[tilespmem:s0+$0xFFFFFFE0] =	vst v21;
	v21 =	vld.idx.msk [tilespmem:v30+s15+$0x0], $0xffff  }
0x198: {  	s8 =	sand.u32 $0x380, s11;
	[tilespmem:s3+$0x10] =	vst v24;
	v24 =	vor.u32 v4, v10;
	v19 =	vld.idx.msk [tilespmem:v19+s15+$0x0], $0xffff  }
0x199: {  	s28 =	sor.u32 s8, s2;
	v17 =	vor.u32 v7, v17;
	[tilespmem:s10+$0x40] =	vst v28;
	v20 =	vld.idx.msk [tilespmem:v20+s15+$0x0], $0xffff  }
0x19a: {  	v28 =	vor.u32 v5, v16;
	[tilespmem:s28+$0x0] =	vst v25;
	v25 =	vld.idx.msk [tilespmem:v31+s15+$0x0], $0xffff  }
0x19b: {  	v30 =	vor.u32 v5, v18;
	v29 =	vld.idx.msk [tilespmem:v29+s15+$0x0], $0xffff;
	[tilespmem:s9+$0x40] =	vst v23  }
0x19c: {  	v23 =	vld.idx.msk [tilespmem:v26+s15+$0x0], $0xffff;
	v26 =	vor.u32 v4, v8;
	[tilespmem:s5+$0x30] =	vst v27  }
0x19d: {  	s17 =	simm.s32 $0x400;
	v27 =	vor.u32 v1, v12;
	[tilespmem:s7+$0x60] =	vst v21;
	v24 =	vld.idx.msk [tilespmem:v24+s15+$0x0], $0xffff  }
0x19e: {  	s11 =	simm.s32 $0x16840;
	s2 =	sand.u32 $0xC00, s17;
	s20 =	simm.s32 $0x480;
	v21 =	vor.u32 v2, v9;
	[tilespmem:s0+$0xFFFFFFF0] =	vst v19;
	v17 =	vld.idx.msk [tilespmem:v17+s15+$0x0], $0xffff  }
0x19f: {  	s8 =	sadd.s32 $0x16400, s2;
	s17 =	sand.u32 $0x280, s20;
	v19 =	vor.u32 v1, v13;
	[tilespmem:s11+$0xFFFFFFC0] =	vst v20;
	v20 =	vld.idx.msk [tilespmem:v28+s15+$0x0], $0xffff  }
0x1a0: {  	v15 =	vor.u32 v7, v15;
	s2 =	sor.u32 s17, s8;
	[tilespmem:s14+$0x20] =	vst v22;
	v28 =	vld.idx.msk [tilespmem:v30+s15+$0x0], $0xffff  }
0x1a1: {  	[tilespmem:s2+$0x0] =	vst v25;
	v25 =	vor.u32 v2, v11;
	v26 =	vld.idx.msk [tilespmem:v26+s15+$0x0], $0xffff  }
0x1a2: {  	v22 =	vor.u32 v6, v16;
	[tilespmem:s28+$0x10] =	vst v29;
	v30 =	vld.idx.msk [tilespmem:v27+s15+$0x0], $0xffff  }
0x1a3: {  	v27 =	vor.u32 v5, v8;
	v21 =	vld.idx.msk [tilespmem:v21+s15+$0x0], $0xffff;
	[tilespmem:s5+$0x40] =	vst v24  }
0x1a4: {  	v32 =	vor.u32 v5, v10;
	v29 =	vld.idx.msk [tilespmem:v19+s15+$0x0], $0xffff;
	[tilespmem:s7+$0x70] =	vst v17  }
0x1a5: {  	s21 =	simm.s32 $0x500;
	v24 =	vor.u32 v1, v14;
	v19 =	vld.idx.msk [tilespmem:v15+s15+$0x0], $0xffff;
	[tilespmem:s10+$0x50] =	vst v20  }
0x1a6: {  	v17 =	vor.u32 v3, v9;
	s7 =	sand.u32 $0x300, s21;
	v25 =	vld.idx.msk [tilespmem:v25+s15+$0x0], $0xffff;
	[tilespmem:s9+$0x50] =	vst v28  }
0x1a7: {  	s7 =	sor.u32 s7, s8;
	v20 =	vor.u32 v6, v18;
	v22 =	vld.idx.msk [tilespmem:v22+s15+$0x0], $0xffff;
	[tilespmem:s0+$0x0] =	vst v26  }
0x1a8: {  	s23 =	simm.s32 $0xB;
	[tilespmem:s7+$0x0] =	vst v23;
	v26 =	vor.u32 v3, v11;
	v23 =	vld.idx.msk [tilespmem:v27+s15+$0x0], $0xffff  }
0x1a9: {  	v15 =	vmov s23;
	v28 =	vor.u32 v7, v16;
	[tilespmem:s3+$0x20] =	vst v21;
	v21 =	vld.idx.msk [tilespmem:v32+s15+$0x0], $0xffff  }
0x1aa: {  	v33 =	vor.u32 v2, v13;
	v15 =	vand.u32 $0x1F, v15;
	[tilespmem:s11+$0xFFFFFFD0] =	vst v30;
	v31 =	vld.idx.msk [tilespmem:v24+s15+$0x0], $0xffff  }
0x1ab: {  	v15 =	vbroadcast v15, $0x0;
	[tilespmem:s2+$0x10] =	vst v29;
	v27 =	vld.idx.msk [tilespmem:v17+s15+$0x0], $0xffff  }
0x1ac: {  	v16 =	vor.u32 v4, v11;
	v29 =	vor.u32 v2, v12;
	[tilespmem:s28+$0x20] =	vst v25;
	v25 =	vld.idx.msk [tilespmem:v20+s15+$0x0], $0xffff  }
0x1ad: {  	v30 =	vor.u32 v0, v15;
	v20 =	vor.u32 v6, v8;
	v26 =	vld.idx.msk [tilespmem:v26+s15+$0x0], $0xffff;
	[tilespmem:s10+$0x60] =	vst v22  }
0x1ae: {  	v17 =	vor.u32 v2, v14;
	v22 =	vor.u32 v7, v18;
	v24 =	vld.idx.msk [tilespmem:v28+s15+$0x0], $0xffff;
	[tilespmem:s0+$0x10] =	vst v23  }
0x1af: {  	s20 =	simm.s32 $0x580;
	s23 =	simm.s32 $0xC;
	v18 =	vor.u32 v4, v15;
	v23 =	vld.idx.msk [tilespmem:v33+s15+$0x0], $0xffff;
	v28 =	vor.u32 v4, v9;
	[tilespmem:s7+$0x10] =	vst v31  }
.LBB2_11:
0x1b0: {  	s21 =	sadd.s32 $0x1, s23  }
0x1b1: {  	v31 =	vmov s23;
	p1 =	slt.u32 s23, $0x1C;
	v29 =	vld.idx.msk [tilespmem:v29+s15+$0x0], $0xffff;
	v32 =	vor.u32 v6, v10;
	[tilespmem:s3+$0x30] =	vst v27;
	s17 =	smov.u32 s23;
	s23 =	sadd.s32 $0x4, s23  }
0x1b2: {  	v33 =	vor.u32 v3, v13;
	v27 =	vand.u32 $0x1C, v31;
	v31 =	vmov s21;
	s21 =	sadd.s32 $0x2, s17;
	v20 =	vld.idx.msk [tilespmem:v20+s15+$0x0], $0xffff;
	[tilespmem:s9+$0x60] =	vst v25  }
0x1b3: {  	v25 =	vbroadcast v27, $0x0;
	v27 =	vand.u32 $0x1D, v31;
	v31 =	vmov s21;
	[tilespmem:s28+$0x30] =	vst v26;
	v22 =	vld.idx.msk [tilespmem:v22+s15+$0x0], $0xffff  }
0x1b4: {  	v26 =	vbroadcast v27, $0x0;
	v27 =	vand.u32 $0x1E, v31;
	v31 =	vor.u32 v3, v12;
	v30 =	vld.idx.msk [tilespmem:v30+s15+$0x0], $0xffff;
	[tilespmem:s10+$0x70] =	vst v24;
	s10 =	smov.u32 s3;
	s3 =	smov.u32 s7  }
0x1b5: {  	v24 =	vor.u32 v0, v25;
	v27 =	vbroadcast v27, $0x0;
	v28 =	vld.idx.msk [tilespmem:v28+s15+$0x0], $0xffff;
	[tilespmem:s14+$0x30] =	vst v19;
	s14 =	smov.u32 s0;
	s0 =	smov.u32 s11  }
0x1b6: {  	v19 =	vor.u32 v0, v26;
	[tilespmem:s2+$0x20] =	vst v23;
	v23 =	vld.idx.msk [tilespmem:v16+s15+$0x0], $0xffff;
	v16 =	vmov v18  }
0x1b7: {  	v34 =	vor.u32 v1, v15;
	v18 =	vor.u32 v0, v27;
	v33 =	vld.idx.msk [tilespmem:v33+s15+$0x0], $0xffff;
	[tilespmem:s5+$0x50] =	vst v21  }
0x1b8: {  	s7 =	sand.u32 $0x380, s20;
	[tilespmem:s11+$0xFFFFFFE0] =	vst v29;
	v21 =	vld.idx.msk [tilespmem:v32+s15+$0x0], $0xffff  }
0x1b9: {  	v29 =	vld.idx.msk [tilespmem:v31+s15+$0x0], $0xffff;
	v31 =	vor.u32 v4, v13;
	[tilespmem:s9+$0x70] =	vst v22;
	s9 =	smov.u32 s28;
	s28 =	sor.u32 s7, s8  }
0x1ba: {  	v22 =	vld.idx.msk [tilespmem:v24+s15+$0x0], $0xffff;
	[tilespmem:s28+$0x0] =	vst v30;
	v24 =	vor.u32 v7, v10;
	v10 =	vmov v13;
	v13 =	vmov v26  }
0x1bb: {  	v26 =	vor.u32 v5, v9;
	v19 =	vld.idx.msk [tilespmem:v19+s15+$0x0], $0xffff;
	[tilespmem:s10+$0x40] =	vst v28;
	v28 =	vor.u32 v5, v11  }
0x1bc: {  	s20 =	sadd.s32 $0x200, s20;
	v30 =	vor.u32 v1, v25;
	v32 =	vld.idx.msk [tilespmem:v34+s15+$0x0], $0xffff;
	[tilespmem:s9+$0x40] =	vst v23  }
0x1bd: {  	s7 =	sadd.s32 $0xFFFFFE80, s20;
	v23 =	vor.u32 v1, v13;
	v34 =	vor.u32 v4, v12;
	v18 =	vld.idx.msk [tilespmem:v18+s15+$0x0], $0xffff;
	[tilespmem:s2+$0x30] =	vst v33  }
0x1be: {  	s11 =	sadd.s32 $0x200, s11;
	s8 =	sadd.s32 $0xFFFFFF00, s20;
	s7 =	sand.u32 $0xC00, s7;
	v33 =	vor.u32 v1, v27;
	v31 =	vld.idx.msk [tilespmem:v31+s15+$0x0], $0xffff;
	[tilespmem:s5+$0x60] =	vst v21  }
0x1bf: {  	s21 =	sand.u32 $0x280, s8;
	s8 =	sadd.s32 $0x16400, s7;
	s7 =	sadd.s32 $0xFFFFFF80, s20;
	[tilespmem:s0+$0xFFFFFFF0] =	vst v29;
	v21 =	vld.idx.msk [tilespmem:v24+s15+$0x0], $0xffff  }
0x1c0: {  	s21 =	sor.u32 s21, s8;
	s7 =	sand.u32 $0x300, s7;
	[tilespmem:s11+$0xFFFFFFC0] =	vst v22;
	v22 =	vld.idx.msk [tilespmem:v26+s15+$0x0], $0xffff  }
0x1c1: {  	s7 =	sor.u32 s7, s8;
	[tilespmem:s21+$0x0] =	vst v19;
	v19 =	vor.u32 v2, v15;
	v24 =	vld.idx.msk [tilespmem:v28+s15+$0x0], $0xffff  }
0x1c2: {  	v26 =	vld.idx.msk [tilespmem:v34+s15+$0x0], $0xffff;
	[tilespmem:s14+$0x20] =	vst v20;
	v20 =	vor.u32 v6, v9  }
0x1c3: {  	v29 =	vor.u32 v7, v8;
	v8 =	vmov v12;
	v12 =	vmov v25;
	v28 =	vld.idx.msk [tilespmem:v30+s15+$0x0], $0xffff;
	[tilespmem:s28+$0x10] =	vst v32  }
0x1c4: {  	v25 =	vor.u32 v5, v8;
	v32 =	vor.u32 v2, v13;
	[tilespmem:s2+$0x40] =	vst v31;
	v30 =	vld.idx.msk [tilespmem:v17+s15+$0x0], $0xffff  }
0x1c5: {  	v17 =	vor.u32 v2, v27;
	v23 =	vld.idx.msk [tilespmem:v23+s15+$0x0], $0xffff;
	[tilespmem:s5+$0x70] =	vst v21;
	s5 =	smov.u32 s2;
	s2 =	smov.u32 s21  }
0x1c6: {  	v34 =	vor.u32 v6, v11;
	v21 =	vor.u32 v3, v14;
	v31 =	vld.idx.msk [tilespmem:v19+s15+$0x0], $0xffff;
	[tilespmem:s10+$0x50] =	vst v22  }
0x1c7: {  	v35 =	vld.idx.msk [tilespmem:v20+s15+$0x0], $0xffff;
	[tilespmem:s9+$0x50] =	vst v24  }
0x1c8: {  	v24 =	vor.u32 v3, v15;
	[tilespmem:s0+$0x0] =	vst v26;
	v19 =	vld.idx.msk [tilespmem:v29+s15+$0x0], $0xffff  }
0x1c9: {  	[tilespmem:s7+$0x0] =	vst v18;
	v36 =	vld.idx.msk [tilespmem:v25+s15+$0x0], $0xffff;
	v18 =	vor.u32 v7, v9;
	v9 =	vmov v14;
	v14 =	vmov v27  }
0x1ca: {  	s17 =	sadd.s32 $0x3, s17;
	v37 =	vor.u32 v5, v10;
	v33 =	vld.idx.msk [tilespmem:v33+s15+$0x0], $0xffff;
	[tilespmem:s3+$0x20] =	vst v30  }
0x1cb: {  	v22 =	vor.u32 v7, v11;
	v11 =	vmov v15;
	v20 =	vmov s17;
	[tilespmem:s2+$0x10] =	vst v23;
	v27 =	vld.idx.msk [tilespmem:v21+s15+$0x0], $0xffff  }
.Ltmp5:
0x1cc: {  	v29 =	vor.u32 v2, v12;
	v15 =	vand.u32 $0x1F, v20;
	[tilespmem:s28+$0x20] =	vst v31;
	v25 =	vld.idx.msk [tilespmem:v34+s15+$0x0], $0xffff;
	(pc) =	sbr.rel @p1 .LBB2_11-.Ltmp5, $4  }
0x1cd: {  	v20 =	vor.u32 v6, v8;
	v15 =	vbroadcast v15, $0x0;
	v26 =	vld.idx.msk [tilespmem:v24+s15+$0x0], $0xffff;
	[tilespmem:s10+$0x60] =	vst v35  }
0x1ce: {  	[tilespmem:s11+$0xFFFFFFD0] =	vst v28;
	v24 =	vld.idx.msk [tilespmem:v18+s15+$0x0], $0xffff  }
0x1cf: {  	v30 =	vor.u32 v0, v15;
	v18 =	vor.u32 v4, v15;
	[tilespmem:s0+$0x10] =	vst v36;
	v21 =	vld.idx.msk [tilespmem:v37+s15+$0x0], $0xffff  }
0x1d0: {  	v28 =	vor.u32 v4, v9;
	v23 =	vld.idx.msk [tilespmem:v32+s15+$0x0], $0xffff;
	[tilespmem:s7+$0x10] =	vst v33  }
0x1d1: {  	_ =	sdelay $0x3  }
0x1d2: {  	v30 =	vld.idx.msk [tilespmem:v30+s15+$0x0], $0xffff  }
0x1d3: {  	v31 =	vor.u32 v1, v15;
	_ =	sdelay $0x1  }
0x1d4: {  	[tilespmem:s3+$0x30] =	vst v27;
	s17 =	sand.u32 $0x380, s20  }
0x1d5: {  	[tilespmem:s9+$0x60] =	vst v25;
	s8 =	sor.u32 s17, s8  }
0x1d6: {  	[tilespmem:s8+$0x0] =	vst v30  }
0x1d7: {  	[tilespmem:s28+$0x30] =	vst v26;
	v25 =	vld.idx.msk [tilespmem:v31+s15+$0x0], $0xffff  }
0x1d8: {  	v26 =	vld.idx.msk [tilespmem:v29+s15+$0x0], $0xffff;
	[tilespmem:s10+$0x70] =	vst v24;
	v24 =	vor.u32 v2, v15  }
0x1d9: {  	[tilespmem:s14+$0x30] =	vst v19;
	v19 =	vor.u32 v6, v10;
	v22 =	vld.idx.msk [tilespmem:v22+s15+$0x0], $0xffff  }
0x1da: {  	v17 =	vld.idx.msk [tilespmem:v17+s15+$0x0], $0xffff;
	[tilespmem:s2+$0x20] =	vst v23;
	v23 =	vor.u32 v3, v12  }
0x1db: {  	v27 =	vor.u32 v3, v13;
	v28 =	vld.idx.msk [tilespmem:v28+s15+$0x0], $0xffff;
	[tilespmem:s5+$0x50] =	vst v21  }
0x1dc: {  	v16 =	vld.idx.msk [tilespmem:v16+s15+$0x0], $0xffff;
	v21 =	vor.u32 v3, v14;
	[tilespmem:s8+$0x10] =	vst v25  }
0x1dd: {  	[tilespmem:s11+$0xFFFFFFE0] =	vst v26;
	v24 =	vld.idx.msk [tilespmem:v24+s15+$0x0], $0xffff  }
0x1de: {  	v19 =	vld.idx.msk [tilespmem:v19+s15+$0x0], $0xffff;
	[tilespmem:s9+$0x70] =	vst v22;
	v22 =	vor.u32 v3, v15  }
0x1df: {  	v10 =	vor.u32 v7, v10;
	[tilespmem:s7+$0x20] =	vst v17;
	v23 =	vld.idx.msk [tilespmem:v23+s15+$0x0], $0xffff  }
0x1e0: {  	[tilespmem:s3+$0x40] =	vst v28;
	v25 =	vld.idx.msk [tilespmem:v27+s15+$0x0], $0xffff;
	v27 =	vor.u32 v5, v9  }
0x1e1: {  	v26 =	vor.u32 v4, v13;
	[tilespmem:s28+$0x40] =	vst v16;
	v16 =	vld.idx.msk [tilespmem:v21+s15+$0x0], $0xffff  }
0x1e2: {  	v17 =	vld.idx.msk [tilespmem:v20+s15+$0x0], $0xffff;
	v20 =	vor.u32 v4, v14;
	[tilespmem:s8+$0x20] =	vst v24  }
0x1e3: {  	v21 =	vor.u32 v4, v12;
	[tilespmem:s5+$0x60] =	vst v19;
	v22 =	vld.idx.msk [tilespmem:v22+s15+$0x0], $0xffff  }
0x1e4: {  	v10 =	vld.idx.msk [tilespmem:v10+s15+$0x0], $0xffff;
	[tilespmem:s11+$0xFFFFFFF0] =	vst v23  }
0x1e5: {  	v19 =	vor.u32 v5, v11;
	[tilespmem:s2+$0x30] =	vst v25;
	v23 =	vld.idx.msk [tilespmem:v27+s15+$0x0], $0xffff  }
0x1e6: {  	[tilespmem:s7+$0x30] =	vst v16;
	v25 =	vor.u32 v6, v9;
	v24 =	vld.idx.msk [tilespmem:v26+s15+$0x0], $0xffff  }
0x1e7: {  	[tilespmem:s0+$0x20] =	vst v17;
	v16 =	vor.u32 v5, v13;
	v17 =	vld.idx.msk [tilespmem:v20+s15+$0x0], $0xffff  }
0x1e8: {  	v20 =	vld.idx.msk [tilespmem:v21+s15+$0x0], $0xffff;
	v21 =	vor.u32 v5, v14;
	[tilespmem:s8+$0x30] =	vst v22  }
0x1e9: {  	[tilespmem:s5+$0x70] =	vst v10;
	v22 =	vor.u32 v5, v12;
	v18 =	vld.idx.msk [tilespmem:v18+s15+$0x0], $0xffff  }
0x1ea: {  	v19 =	vld.idx.msk [tilespmem:v19+s15+$0x0], $0xffff;
	[tilespmem:s3+$0x50] =	vst v23;
	v23 =	vor.u32 v5, v15  }
0x1eb: {  	v10 =	vor.u32 v6, v11;
	[tilespmem:s2+$0x40] =	vst v24;
	v24 =	vld.idx.msk [tilespmem:v25+s15+$0x0], $0xffff  }
0x1ec: {  	v9 =	vor.u32 v7, v9;
	[tilespmem:s7+$0x40] =	vst v17;
	v16 =	vld.idx.msk [tilespmem:v16+s15+$0x0], $0xffff  }
0x1ed: {  	v17 =	vor.u32 v6, v13;
	[tilespmem:s11+$0x0] =	vst v20;
	v20 =	vld.idx.msk [tilespmem:v21+s15+$0x0], $0xffff  }
0x1ee: {  	v21 =	vld.idx.msk [tilespmem:v22+s15+$0x0], $0xffff;
	[tilespmem:s8+$0x40] =	vst v18;
	v18 =	vor.u32 v6, v14  }
0x1ef: {  	[tilespmem:s28+$0x50] =	vst v19;
	v19 =	vor.u32 v6, v12;
	v22 =	vld.idx.msk [tilespmem:v23+s15+$0x0], $0xffff  }
0x1f0: {  	v10 =	vld.idx.msk [tilespmem:v10+s15+$0x0], $0xffff;
	[tilespmem:s3+$0x60] =	vst v24;
	v23 =	vor.u32 v6, v15  }
0x1f1: {  	v8 =	vor.u32 v7, v8;
	v9 =	vld.idx.msk [tilespmem:v9+s15+$0x0], $0xffff;
	[tilespmem:s2+$0x50] =	vst v16  }
0x1f2: {  	v11 =	vor.u32 v7, v11;
	[tilespmem:s7+$0x50] =	vst v20;
	v16 =	vld.idx.msk [tilespmem:v17+s15+$0x0], $0xffff  }
0x1f3: {  	v13 =	vor.u32 v7, v13;
	[tilespmem:s11+$0x10] =	vst v21;
	v17 =	vld.idx.msk [tilespmem:v18+s15+$0x0], $0xffff  }
0x1f4: {  	v14 =	vor.u32 v7, v14;
	v18 =	vld.idx.msk [tilespmem:v19+s15+$0x0], $0xffff;
	[tilespmem:s8+$0x50] =	vst v22  }
0x1f5: {  	[tilespmem:s28+$0x60] =	vst v10;
	v10 =	vor.u32 v7, v12;
	v12 =	vld.idx.msk [tilespmem:v23+s15+$0x0], $0xffff  }
0x1f6: {  	v8 =	vld.idx.msk [tilespmem:v8+s15+$0x0], $0xffff;
	[tilespmem:s3+$0x70] =	vst v9;
	v9 =	vor.u32 v7, v15  }
0x1f7: {  	v11 =	vld.idx.msk [tilespmem:v11+s15+$0x0], $0xffff;
	[tilespmem:s2+$0x60] =	vst v16  }
0x1f8: {  	v13 =	vld.idx.msk [tilespmem:v13+s15+$0x0], $0xffff;
	[tilespmem:s7+$0x60] =	vst v17  }
0x1f9: {  	[tilespmem:s11+$0x20] =	vst v18;
	v14 =	vld.idx.msk [tilespmem:v14+s15+$0x0], $0xffff  }
0x1fa: {  	v10 =	vld.idx.msk [tilespmem:v10+s15+$0x0], $0xffff;
	[tilespmem:s8+$0x60] =	vst v12  }
0x1fb: {  	[tilespmem:s0+$0x30] =	vst v8;
	v8 =	vld.idx.msk [tilespmem:v9+s15+$0x0], $0xffff  }
0x1fc: {  	[tilespmem:s28+$0x70] =	vst v11  }
0x1fd: {  	[tilespmem:s2+$0x70] =	vst v13  }
0x1fe: {  	[tilespmem:s7+$0x70] =	vst v14  }
0x1ff: {  	[tilespmem:s11+$0x30] =	vst v10  }
0x200: {  	[tilespmem:s8+$0x70] =	vst v8  }
0x201: {  	s9 =	simm.s32 $0x1;
	s0 =	rddreg [dreg:$0x5]  }
0x202: {  	s7 =	simm.s32 $0x16400;
	s8 =	simm.s32 $0x0;
	s0 =	sadd.s32 s31, s0  }
0x203: {  	v8 =	vmov s8;
	[hbm4b:s0+s18] =	stream.strided.scatter [tilespmem:s7], [sflag:$0x5], $0x1000, s19, s18, $0x38;
	[tilespmem:$0x18400] =	vst v63  }
0x204: {  	s1 =	sadd.s32 @!p0 $0x300, s1;
	s3 =	simm.s32 @!p0 $0xE400;
	s2 =	simm.s32 @!p0 $0x80;
	v9 =	vmov s9;
	v8 =	vand.u32 $0x1C, v8  }
0x205: {  	v15 =	vbroadcast v8, $0x0;
	v8 =	vand.u32 $0x1D, v9;
	[tilespmem:s3], [sflag:$0x3] =	stream.indirect.gather @!p0 [hbm4b:s4+s2], $0x80, s1, s2, $0xb8;
	[tilespmem:$0x18400] =	vst v63  }
0x206: {  	v17 =	vbroadcast v8, $0x0;
	_ =	swait.ge [sflag:s26], $0x4000  }
0x207: {  	v8 =	vor.u32 v0, v15;
	[sflag:s26] =	ssyncset.done $0x0  }
0x208: {  	v9 =	vor.u32 v0, v17;
	[sflag:s26] =	ssyncadd.s32 $0xFFFFC000  }
0x209: {  	_ =	swait.ge [sflag:s22], $0x1000  }
0x20a: {  	[sflag:s22] =	ssyncset.done $0x0  }
0x20b: {  	[sflag:s22] =	ssyncadd.s32 $0xFFFFF000  }
0x20c: {  	v8 =	vld.idx.msk [tilespmem:v8+s16+$0x0], $0xffff  }
0x20d: {  	s10 =	simm.s32 $0x2;
	v10 =	vor.u32 v1, v15;
	v9 =	vld.idx.msk [tilespmem:v9+s16+$0x0], $0xffff  }
0x20e: {  	v11 =	vmov s10;
	s11 =	simm.s32 $0x0;
	v12 =	vor.u32 v1, v17  }
0x20f: {  	s14 =	simm.s32 $0x80;
	v11 =	vand.u32 $0x1E, v11;
	s0 =	sand.u32 $0xC00, s11  }
0x210: {  	v16 =	vbroadcast v11, $0x0;
	s0 =	sadd.s32 $0x17400, s0;
	s1 =	simm.s32 $0x17440;
	s2 =	sand.u32 $0x280, s14  }
0x211: {  	s17 =	simm.s32 $0x3;
	s8 =	sor.u32 s2, s0;
	[tilespmem:s1+$0xFFFFFFC0] =	vst v8  }
0x212: {  	v8 =	vor.u32 v0, v16;
	[tilespmem:s8+$0x0] =	vst v9;
	v9 =	vld.idx.msk [tilespmem:v10+s16+$0x0], $0xffff;
	v10 =	vmov s17  }
0x213: {  	v11 =	vld.idx.msk [tilespmem:v12+s16+$0x0], $0xffff;
	v12 =	vor.u32 v2, v15;
	v10 =	vand.u32 $0x1F, v10  }
0x214: {  	v13 =	vor.u32 v2, v17;
	v18 =	vbroadcast v10, $0x0;
	_ =	sdelay $0x1  }
0x215: {  	s20 =	simm.s32 $0x4;
	v14 =	vor.u32 v0, v18  }
0x216: {  	v19 =	vld.idx.msk [tilespmem:v8+s16+$0x0], $0xffff;
	v8 =	vmov s20;
	[tilespmem:s1+$0xFFFFFFD0] =	vst v9  }
0x217: {  	s21 =	simm.s32 $0x5;
	v20 =	vor.u32 v1, v16;
	[tilespmem:s8+$0x10] =	vst v11;
	v8 =	vand.u32 $0x1C, v8;
	v11 =	vld.idx.msk [tilespmem:v12+s16+$0x0], $0xffff  }
0x218: {  	s23 =	simm.s32 $0x100;
	s31 =	simm.s32 $0x6;
	v9 =	vmov s21;
	v12 =	vld.idx.msk [tilespmem:v13+s16+$0x0], $0xffff;
	v8 =	vbroadcast v8, $0x0;
	v13 =	vor.u32 v3, v15  }
0x219: {  	v22 =	vmov s31;
	s3 =	sand.u32 $0x300, s23;
	v21 =	vor.u32 v3, v17;
	v9 =	vand.u32 $0x1D, v9  }
0x21a: {  	s10 =	sor.u32 s3, s0;
	v10 =	vbroadcast v9, $0x0;
	v9 =	vand.u32 $0x1E, v22;
	v22 =	vor.u32 v0, v8;
	v14 =	vld.idx.msk [tilespmem:v14+s16+$0x0], $0xffff  }
0x21b: {  	v9 =	vbroadcast v9, $0x0;
	[tilespmem:s10+$0x0] =	vst v19;
	v19 =	vor.u32 v1, v18  }
0x21c: {  	s5 =	simm.s32 $0x180;
	v23 =	vor.u32 v0, v10;
	v20 =	vld.idx.msk [tilespmem:v20+s16+$0x0], $0xffff;
	[tilespmem:s1+$0xFFFFFFE0] =	vst v11  }
0x21d: {  	s2 =	sand.u32 $0x380, s5;
	[tilespmem:s8+$0x20] =	vst v12;
	v11 =	vor.u32 v0, v9;
	v12 =	vld.idx.msk [tilespmem:v13+s16+$0x0], $0xffff  }
0x21e: {  	s9 =	sor.u32 s2, s0;
	v13 =	vld.idx.msk [tilespmem:v21+s16+$0x0], $0xffff;
	v21 =	vor.u32 v4, v15  }
0x21f: {  	v24 =	vor.u32 v4, v17;
	v22 =	vld.idx.msk [tilespmem:v22+s16+$0x0], $0xffff;
	[tilespmem:s9+$0x0] =	vst v14  }
0x220: {  	v14 =	vor.u32 v2, v16;
	v19 =	vld.idx.msk [tilespmem:v19+s16+$0x0], $0xffff  }
0x221: {  	v25 =	vor.u32 v2, v18;
	v23 =	vld.idx.msk [tilespmem:v23+s16+$0x0], $0xffff;
	[tilespmem:s10+$0x10] =	vst v20  }
0x222: {  	s7 =	simm.s32 $0x200;
	v26 =	vor.u32 v1, v8;
	v11 =	vld.idx.msk [tilespmem:v11+s16+$0x0], $0xffff;
	[tilespmem:s1+$0xFFFFFFF0] =	vst v12  }
0x223: {  	s11 =	sand.u32 $0xC00, s7;
	s14 =	simm.s32 $0x280;
	s0 =	simm.s32 $0x17640;
	v12 =	vor.u32 v1, v10;
	[tilespmem:s8+$0x30] =	vst v13;
	v13 =	vld.idx.msk [tilespmem:v21+s16+$0x0], $0xffff  }
0x224: {  	s3 =	sand.u32 $0x280, s14;
	s2 =	sadd.s32 $0x17400, s11;
	s17 =	simm.s32 $0x300;
	v20 =	vld.idx.msk [tilespmem:v24+s16+$0x0], $0xffff;
	v24 =	vor.u32 v1, v9;
	[tilespmem:s0+$0xFFFFFFC0] =	vst v22  }
0x225: {  	s5 =	sor.u32 s3, s2;
	s20 =	sand.u32 $0x300, s17;
	v21 =	vor.u32 v5, v15;
	v14 =	vld.idx.msk [tilespmem:v14+s16+$0x0], $0xffff;
	[tilespmem:s9+$0x10] =	vst v19  }
0x226: {  	s3 =	sor.u32 s20, s2;
	[tilespmem:s5+$0x0] =	vst v23;
	v19 =	vor.u32 v3, v16;
	v22 =	vld.idx.msk [tilespmem:v25+s16+$0x0], $0xffff  }
0x227: {  	v23 =	vld.idx.msk [tilespmem:v26+s16+$0x0], $0xffff;
	v25 =	vor.u32 v3, v18;
	[tilespmem:s3+$0x0] =	vst v11  }
0x228: {  	s21 =	simm.s32 $0x7;
	v12 =	vld.idx.msk [tilespmem:v12+s16+$0x0], $0xffff;
	[tilespmem:s1+$0x0] =	vst v13;
	v13 =	vor.u32 v5, v17  }
0x229: {  	v27 =	vor.u32 v2, v10;
	v26 =	vmov s21;
	v24 =	vld.idx.msk [tilespmem:v24+s16+$0x0], $0xffff  }
0x22a: {  	v11 =	vand.u32 $0x1F, v26;
	v21 =	vld.idx.msk [tilespmem:v21+s16+$0x0], $0xffff;
	[tilespmem:s10+$0x20] =	vst v14;
	v14 =	vor.u32 v2, v8  }
0x22b: {  	v11 =	vbroadcast v11, $0x0;
	v19 =	vld.idx.msk [tilespmem:v19+s16+$0x0], $0xffff;
	[tilespmem:s9+$0x20] =	vst v22;
	v22 =	vor.u32 v6, v15  }
0x22c: {  	v28 =	vor.u32 v4, v16;
	[tilespmem:s8+$0x40] =	vst v20;
	v20 =	vld.idx.msk [tilespmem:v25+s16+$0x0], $0xffff  }
0x22d: {  	s23 =	simm.s32 $0x8;
	v25 =	vor.u32 v0, v11;
	[tilespmem:s5+$0x10] =	vst v12;
	v26 =	vld.idx.msk [tilespmem:v13+s16+$0x0], $0xffff  }
0x22e: {  	s31 =	simm.s32 $0x9;
	v29 =	vor.u32 v4, v18;
	[tilespmem:s0+$0xFFFFFFD0] =	vst v23;
	v12 =	vmov s23;
	v23 =	vld.idx.msk [tilespmem:v27+s16+$0x0], $0xffff  }
0x22f: {  	v12 =	vand.u32 $0x1C, v12;
	v13 =	vmov s31;
	v27 =	vor.u32 v3, v10;
	[tilespmem:s1+$0x10] =	vst v21;
	v21 =	vld.idx.msk [tilespmem:v14+s16+$0x0], $0xffff  }
0x230: {  	v30 =	vor.u32 v6, v17;
	s11 =	simm.s32 $0xA;
	v12 =	vbroadcast v12, $0x0;
	v13 =	vand.u32 $0x1D, v13;
	[tilespmem:s10+$0x30] =	vst v19;
	v22 =	vld.idx.msk [tilespmem:v22+s16+$0x0], $0xffff  }
0x231: {  	v14 =	vmov s11;
	v13 =	vbroadcast v13, $0x0;
	v19 =	vor.u32 v3, v8;
	v28 =	vld.idx.msk [tilespmem:v28+s16+$0x0], $0xffff  }
0x232: {  	v14 =	vand.u32 $0x1E, v14;
	v25 =	vld.idx.msk [tilespmem:v25+s16+$0x0], $0xffff;
	[tilespmem:s9+$0x30] =	vst v20;
	v20 =	vor.u32 v0, v12  }
0x233: {  	v14 =	vbroadcast v14, $0x0;
	v31 =	vor.u32 v0, v13;
	[tilespmem:s5+$0x20] =	vst v23;
	v23 =	vld.idx.msk [tilespmem:v29+s16+$0x0], $0xffff  }
0x234: {  	v29 =	vor.u32 v1, v11;
	[tilespmem:s8+$0x50] =	vst v26;
	v27 =	vld.idx.msk [tilespmem:v27+s16+$0x0], $0xffff  }
0x235: {  	s14 =	simm.s32 $0x380;
	v26 =	vor.u32 v0, v14;
	[tilespmem:s0+$0xFFFFFFE0] =	vst v21;
	v21 =	vld.idx.msk [tilespmem:v30+s16+$0x0], $0xffff  }
0x236: {  	s7 =	sand.u32 $0x380, s14;
	[tilespmem:s3+$0x10] =	vst v24;
	v24 =	vor.u32 v4, v10;
	v19 =	vld.idx.msk [tilespmem:v19+s16+$0x0], $0xffff  }
0x237: {  	s14 =	sor.u32 s7, s2;
	v17 =	vor.u32 v7, v17;
	[tilespmem:s10+$0x40] =	vst v28;
	v20 =	vld.idx.msk [tilespmem:v20+s16+$0x0], $0xffff  }
0x238: {  	v28 =	vor.u32 v5, v16;
	[tilespmem:s14+$0x0] =	vst v25;
	v25 =	vld.idx.msk [tilespmem:v31+s16+$0x0], $0xffff  }
0x239: {  	v30 =	vor.u32 v5, v18;
	v29 =	vld.idx.msk [tilespmem:v29+s16+$0x0], $0xffff;
	[tilespmem:s9+$0x40] =	vst v23  }
0x23a: {  	v23 =	vld.idx.msk [tilespmem:v26+s16+$0x0], $0xffff;
	v26 =	vor.u32 v4, v8;
	[tilespmem:s5+$0x30] =	vst v27  }
0x23b: {  	s17 =	simm.s32 $0x400;
	v27 =	vor.u32 v1, v12;
	[tilespmem:s8+$0x60] =	vst v21;
	v24 =	vld.idx.msk [tilespmem:v24+s16+$0x0], $0xffff  }
0x23c: {  	s28 =	simm.s32 $0x17840;
	s2 =	sand.u32 $0xC00, s17;
	s20 =	simm.s32 $0x480;
	v21 =	vor.u32 v2, v9;
	[tilespmem:s0+$0xFFFFFFF0] =	vst v19;
	v17 =	vld.idx.msk [tilespmem:v17+s16+$0x0], $0xffff  }
0x23d: {  	s7 =	sadd.s32 $0x17400, s2;
	s21 =	sand.u32 $0x280, s20;
	v19 =	vor.u32 v1, v13;
	[tilespmem:s28+$0xFFFFFFC0] =	vst v20;
	v20 =	vld.idx.msk [tilespmem:v28+s16+$0x0], $0xffff  }
0x23e: {  	s2 =	sor.u32 s21, s7;
	v15 =	vor.u32 v7, v15;
	[tilespmem:s1+$0x20] =	vst v22;
	v28 =	vld.idx.msk [tilespmem:v30+s16+$0x0], $0xffff  }
0x23f: {  	[tilespmem:s2+$0x0] =	vst v25;
	v25 =	vor.u32 v2, v11;
	v26 =	vld.idx.msk [tilespmem:v26+s16+$0x0], $0xffff  }
0x240: {  	v22 =	vor.u32 v6, v16;
	[tilespmem:s14+$0x10] =	vst v29;
	v30 =	vld.idx.msk [tilespmem:v27+s16+$0x0], $0xffff  }
0x241: {  	v27 =	vor.u32 v5, v8;
	v21 =	vld.idx.msk [tilespmem:v21+s16+$0x0], $0xffff;
	[tilespmem:s5+$0x40] =	vst v24  }
0x242: {  	v32 =	vor.u32 v5, v10;
	v29 =	vld.idx.msk [tilespmem:v19+s16+$0x0], $0xffff;
	[tilespmem:s8+$0x70] =	vst v17  }
0x243: {  	s23 =	simm.s32 $0x500;
	v24 =	vor.u32 v1, v14;
	v19 =	vld.idx.msk [tilespmem:v15+s16+$0x0], $0xffff;
	[tilespmem:s10+$0x50] =	vst v20  }
0x244: {  	v17 =	vor.u32 v3, v9;
	s8 =	sand.u32 $0x300, s23;
	v25 =	vld.idx.msk [tilespmem:v25+s16+$0x0], $0xffff;
	[tilespmem:s9+$0x50] =	vst v28  }
0x245: {  	s11 =	sor.u32 s8, s7;
	v20 =	vor.u32 v6, v18;
	v22 =	vld.idx.msk [tilespmem:v22+s16+$0x0], $0xffff;
	[tilespmem:s0+$0x0] =	vst v26  }
0x246: {  	s31 =	simm.s32 $0xB;
	[tilespmem:s11+$0x0] =	vst v23;
	v26 =	vor.u32 v3, v11;
	v23 =	vld.idx.msk [tilespmem:v27+s16+$0x0], $0xffff  }
0x247: {  	v15 =	vmov s31;
	v28 =	vor.u32 v7, v16;
	[tilespmem:s3+$0x20] =	vst v21;
	v21 =	vld.idx.msk [tilespmem:v32+s16+$0x0], $0xffff  }
0x248: {  	v33 =	vor.u32 v2, v13;
	v15 =	vand.u32 $0x1F, v15;
	[tilespmem:s28+$0xFFFFFFD0] =	vst v30;
	v31 =	vld.idx.msk [tilespmem:v24+s16+$0x0], $0xffff  }
0x249: {  	v15 =	vbroadcast v15, $0x0;
	[tilespmem:s2+$0x10] =	vst v29;
	v27 =	vld.idx.msk [tilespmem:v17+s16+$0x0], $0xffff  }
0x24a: {  	v16 =	vor.u32 v4, v11;
	v29 =	vor.u32 v2, v12;
	[tilespmem:s14+$0x20] =	vst v25;
	v25 =	vld.idx.msk [tilespmem:v20+s16+$0x0], $0xffff  }
0x24b: {  	v30 =	vor.u32 v0, v15;
	v20 =	vor.u32 v6, v8;
	v26 =	vld.idx.msk [tilespmem:v26+s16+$0x0], $0xffff;
	[tilespmem:s10+$0x60] =	vst v22  }
0x24c: {  	v17 =	vor.u32 v2, v14;
	v22 =	vor.u32 v7, v18;
	v24 =	vld.idx.msk [tilespmem:v28+s16+$0x0], $0xffff;
	[tilespmem:s0+$0x10] =	vst v23  }
0x24d: {  	s20 =	simm.s32 $0xC;
	s8 =	simm.s32 $0x580;
	v18 =	vor.u32 v4, v15;
	v23 =	vld.idx.msk [tilespmem:v33+s16+$0x0], $0xffff;
	v28 =	vor.u32 v4, v9;
	[tilespmem:s11+$0x10] =	vst v31  }
.LBB2_13:
0x24e: {  	s21 =	sadd.s32 $0x1, s20  }
0x24f: {  	v31 =	vmov s20;
	p0 =	slt.u32 s20, $0x1C;
	v29 =	vld.idx.msk [tilespmem:v29+s16+$0x0], $0xffff;
	v32 =	vor.u32 v6, v10;
	[tilespmem:s3+$0x30] =	vst v27;
	s17 =	smov.u32 s20;
	s20 =	sadd.s32 $0x4, s20  }
0x250: {  	v33 =	vor.u32 v3, v13;
	v27 =	vand.u32 $0x1C, v31;
	v31 =	vmov s21;
	s21 =	sadd.s32 $0x2, s17;
	v20 =	vld.idx.msk [tilespmem:v20+s16+$0x0], $0xffff;
	[tilespmem:s9+$0x60] =	vst v25  }
0x251: {  	v25 =	vbroadcast v27, $0x0;
	v27 =	vand.u32 $0x1D, v31;
	v31 =	vmov s21;
	[tilespmem:s14+$0x30] =	vst v26;
	v22 =	vld.idx.msk [tilespmem:v22+s16+$0x0], $0xffff  }
0x252: {  	v26 =	vbroadcast v27, $0x0;
	v27 =	vand.u32 $0x1E, v31;
	v31 =	vor.u32 v3, v12;
	v30 =	vld.idx.msk [tilespmem:v30+s16+$0x0], $0xffff;
	[tilespmem:s10+$0x70] =	vst v24;
	s10 =	smov.u32 s3;
	s3 =	smov.u32 s11  }
0x253: {  	v24 =	vor.u32 v0, v25;
	v27 =	vbroadcast v27, $0x0;
	v28 =	vld.idx.msk [tilespmem:v28+s16+$0x0], $0xffff;
	[tilespmem:s1+$0x30] =	vst v19;
	s1 =	smov.u32 s0;
	s0 =	smov.u32 s28  }
0x254: {  	v19 =	vor.u32 v0, v26;
	[tilespmem:s2+$0x20] =	vst v23;
	v23 =	vld.idx.msk [tilespmem:v16+s16+$0x0], $0xffff;
	v16 =	vmov v18  }
0x255: {  	v34 =	vor.u32 v1, v15;
	v18 =	vor.u32 v0, v27;
	v33 =	vld.idx.msk [tilespmem:v33+s16+$0x0], $0xffff;
	[tilespmem:s5+$0x50] =	vst v21  }
0x256: {  	s11 =	sand.u32 $0x380, s8;
	[tilespmem:s28+$0xFFFFFFE0] =	vst v29;
	v21 =	vld.idx.msk [tilespmem:v32+s16+$0x0], $0xffff  }
0x257: {  	v29 =	vld.idx.msk [tilespmem:v31+s16+$0x0], $0xffff;
	v31 =	vor.u32 v4, v13;
	[tilespmem:s9+$0x70] =	vst v22;
	s9 =	smov.u32 s14;
	s14 =	sor.u32 s11, s7  }
0x258: {  	v22 =	vld.idx.msk [tilespmem:v24+s16+$0x0], $0xffff;
	[tilespmem:s14+$0x0] =	vst v30;
	v24 =	vor.u32 v7, v10;
	v10 =	vmov v13;
	v13 =	vmov v26  }
0x259: {  	v26 =	vor.u32 v5, v9;
	v19 =	vld.idx.msk [tilespmem:v19+s16+$0x0], $0xffff;
	[tilespmem:s10+$0x40] =	vst v28;
	v28 =	vor.u32 v5, v11  }
0x25a: {  	s8 =	sadd.s32 $0x200, s8;
	v30 =	vor.u32 v1, v25;
	v32 =	vld.idx.msk [tilespmem:v34+s16+$0x0], $0xffff;
	[tilespmem:s9+$0x40] =	vst v23  }
0x25b: {  	s7 =	sadd.s32 $0xFFFFFE80, s8;
	v23 =	vor.u32 v1, v13;
	v34 =	vor.u32 v4, v12;
	v18 =	vld.idx.msk [tilespmem:v18+s16+$0x0], $0xffff;
	[tilespmem:s2+$0x30] =	vst v33  }
0x25c: {  	s28 =	sadd.s32 $0x200, s28;
	s11 =	sadd.s32 $0xFFFFFF00, s8;
	s7 =	sand.u32 $0xC00, s7;
	v33 =	vor.u32 v1, v27;
	v31 =	vld.idx.msk [tilespmem:v31+s16+$0x0], $0xffff;
	[tilespmem:s5+$0x60] =	vst v21  }
0x25d: {  	s21 =	sadd.s32 $0xFFFFFF80, s8;
	s11 =	sand.u32 $0x280, s11;
	s7 =	sadd.s32 $0x17400, s7;
	[tilespmem:s0+$0xFFFFFFF0] =	vst v29;
	v21 =	vld.idx.msk [tilespmem:v24+s16+$0x0], $0xffff  }
0x25e: {  	s23 =	sor.u32 s11, s7;
	s11 =	sand.u32 $0x300, s21;
	[tilespmem:s28+$0xFFFFFFC0] =	vst v22;
	v22 =	vld.idx.msk [tilespmem:v26+s16+$0x0], $0xffff  }
0x25f: {  	s11 =	sor.u32 s11, s7;
	[tilespmem:s23+$0x0] =	vst v19;
	v19 =	vor.u32 v2, v15;
	v24 =	vld.idx.msk [tilespmem:v28+s16+$0x0], $0xffff  }
0x260: {  	v26 =	vld.idx.msk [tilespmem:v34+s16+$0x0], $0xffff;
	[tilespmem:s1+$0x20] =	vst v20;
	v20 =	vor.u32 v6, v9  }
0x261: {  	v29 =	vor.u32 v7, v8;
	v8 =	vmov v12;
	v12 =	vmov v25;
	v28 =	vld.idx.msk [tilespmem:v30+s16+$0x0], $0xffff;
	[tilespmem:s14+$0x10] =	vst v32  }
0x262: {  	v25 =	vor.u32 v5, v8;
	v32 =	vor.u32 v2, v13;
	[tilespmem:s2+$0x40] =	vst v31;
	v30 =	vld.idx.msk [tilespmem:v17+s16+$0x0], $0xffff  }
0x263: {  	v17 =	vor.u32 v2, v27;
	v23 =	vld.idx.msk [tilespmem:v23+s16+$0x0], $0xffff;
	[tilespmem:s5+$0x70] =	vst v21;
	s5 =	smov.u32 s2;
	s2 =	smov.u32 s23  }
0x264: {  	v34 =	vor.u32 v6, v11;
	v21 =	vor.u32 v3, v14;
	v31 =	vld.idx.msk [tilespmem:v19+s16+$0x0], $0xffff;
	[tilespmem:s10+$0x50] =	vst v22  }
0x265: {  	v35 =	vld.idx.msk [tilespmem:v20+s16+$0x0], $0xffff;
	[tilespmem:s9+$0x50] =	vst v24  }
0x266: {  	v24 =	vor.u32 v3, v15;
	[tilespmem:s0+$0x0] =	vst v26;
	v19 =	vld.idx.msk [tilespmem:v29+s16+$0x0], $0xffff  }
0x267: {  	[tilespmem:s11+$0x0] =	vst v18;
	v36 =	vld.idx.msk [tilespmem:v25+s16+$0x0], $0xffff;
	v18 =	vor.u32 v7, v9;
	v9 =	vmov v14;
	v14 =	vmov v27  }
0x268: {  	s17 =	sadd.s32 $0x3, s17;
	v37 =	vor.u32 v5, v10;
	v33 =	vld.idx.msk [tilespmem:v33+s16+$0x0], $0xffff;
	[tilespmem:s3+$0x20] =	vst v30  }
0x269: {  	v22 =	vor.u32 v7, v11;
	v11 =	vmov v15;
	v20 =	vmov s17;
	[tilespmem:s2+$0x10] =	vst v23;
	v27 =	vld.idx.msk [tilespmem:v21+s16+$0x0], $0xffff  }
.Ltmp6:
0x26a: {  	v29 =	vor.u32 v2, v12;
	v15 =	vand.u32 $0x1F, v20;
	[tilespmem:s14+$0x20] =	vst v31;
	v25 =	vld.idx.msk [tilespmem:v34+s16+$0x0], $0xffff;
	(pc) =	sbr.rel @p0 .LBB2_13-.Ltmp6, $4  }
0x26b: {  	v20 =	vor.u32 v6, v8;
	v15 =	vbroadcast v15, $0x0;
	v26 =	vld.idx.msk [tilespmem:v24+s16+$0x0], $0xffff;
	[tilespmem:s10+$0x60] =	vst v35  }
0x26c: {  	[tilespmem:s28+$0xFFFFFFD0] =	vst v28;
	v24 =	vld.idx.msk [tilespmem:v18+s16+$0x0], $0xffff  }
0x26d: {  	v30 =	vor.u32 v0, v15;
	v18 =	vor.u32 v4, v15;
	[tilespmem:s0+$0x10] =	vst v36;
	v21 =	vld.idx.msk [tilespmem:v37+s16+$0x0], $0xffff  }
0x26e: {  	v28 =	vor.u32 v4, v9;
	v23 =	vld.idx.msk [tilespmem:v32+s16+$0x0], $0xffff;
	[tilespmem:s11+$0x10] =	vst v33  }
0x26f: {  	_ =	sdelay $0x3  }
0x270: {  	v30 =	vld.idx.msk [tilespmem:v30+s16+$0x0], $0xffff  }
0x271: {  	v31 =	vor.u32 v1, v15;
	_ =	sdelay $0x1  }
0x272: {  	[tilespmem:s3+$0x30] =	vst v27;
	s8 =	sand.u32 $0x380, s8  }
0x273: {  	[tilespmem:s9+$0x60] =	vst v25;
	s7 =	sor.u32 s8, s7  }
0x274: {  	[tilespmem:s7+$0x0] =	vst v30  }
0x275: {  	[tilespmem:s1+$0x30] =	vst v19;
	v54 =	vld.idx.msk [tilespmem:v31+s16+$0x0], $0xffff  }
0x276: {  	v55 =	vld.idx.msk [tilespmem:v29+s16+$0x0], $0xffff;
	v56 =	vor.u32 v2, v15;
	[tilespmem:s14+$0x30] =	vst v26  }
0x277: {  	v17 =	vld.idx.msk [tilespmem:v17+s16+$0x0], $0xffff;
	[tilespmem:s10+$0x70] =	vst v24  }
0x278: {  	v57 =	vor.u32 v3, v13;
	v33 =	vld.idx.msk [tilespmem:v20+s16+$0x0], $0xffff;
	[tilespmem:s5+$0x50] =	vst v21  }
0x279: {  	v58 =	vor.u32 v6, v10;
	v22 =	vld.idx.msk [tilespmem:v22+s16+$0x0], $0xffff;
	[tilespmem:s2+$0x20] =	vst v23  }
0x27a: {  	v60 =	vor.u32 v3, v14;
	v28 =	vld.idx.msk [tilespmem:v28+s16+$0x0], $0xffff;
	[tilespmem:s7+$0x10] =	vst v54  }
0x27b: {  	v59 =	vor.u32 v3, v12;
	[tilespmem:s28+$0xFFFFFFE0] =	vst v55;
	v24 =	vld.idx.msk [tilespmem:v56+s16+$0x0], $0xffff  }
0x27c: {  	v62 =	vor.u32 v3, v15;
	v16 =	vld.idx.msk [tilespmem:v16+s16+$0x0], $0xffff;
	[tilespmem:s11+$0x20] =	vst v17  }
0x27d: {  	v8 =	vor.u32 v7, v8;
	v61 =	vld.idx.msk [tilespmem:v57+s16+$0x0], $0xffff;
	[tilespmem:s0+$0x20] =	vst v33  }
0x27e: {  	v19 =	vld.idx.msk [tilespmem:v58+s16+$0x0], $0xffff;
	v30 =	vor.u32 v5, v9;
	[tilespmem:s9+$0x70] =	vst v22  }
0x27f: {  	v63 =	vor.u32 v4, v13;
	[tilespmem:s3+$0x40] =	vst v28;
	v32 =	vld.idx.msk [tilespmem:v60+s16+$0x0], $0xffff  }
0x280: {  	v34 =	vor.u32 v4, v14;
	v23 =	vld.idx.msk [tilespmem:v59+s16+$0x0], $0xffff;
	[tilespmem:s7+$0x20] =	vst v24  }
0x281: {  	v35 =	vor.u32 v4, v12;
	[tilespmem:s14+$0x40] =	vst v16;
	v22 =	vld.idx.msk [tilespmem:v62+s16+$0x0], $0xffff  }
0x282: {  	v8 =	vld.idx.msk [tilespmem:v8+s16+$0x0], $0xffff;
	[tilespmem:s2+$0x30] =	vst v61  }
0x283: {  	v37 =	vor.u32 v5, v11;
	[tilespmem:s5+$0x60] =	vst v19;
	v38 =	vld.idx.msk [tilespmem:v30+s16+$0x0], $0xffff  }
0x284: {  	v31 =	vor.u32 v7, v10;
	v36 =	vld.idx.msk [tilespmem:v63+s16+$0x0], $0xffff;
	[tilespmem:s11+$0x30] =	vst v32  }
0x285: {  	v40 =	vor.u32 v5, v13;
	[tilespmem:s28+$0xFFFFFFF0] =	vst v23;
	v41 =	vld.idx.msk [tilespmem:v34+s16+$0x0], $0xffff  }
0x286: {  	v43 =	vor.u32 v5, v14;
	v42 =	vld.idx.msk [tilespmem:v35+s16+$0x0], $0xffff;
	[tilespmem:s7+$0x30] =	vst v22  }
0x287: {  	v44 =	vor.u32 v5, v12;
	[tilespmem:s0+$0x30] =	vst v8;
	v18 =	vld.idx.msk [tilespmem:v18+s16+$0x0], $0xffff  }
0x288: {  	v45 =	vor.u32 v5, v15;
	v19 =	vld.idx.msk [tilespmem:v37+s16+$0x0], $0xffff;
	[tilespmem:s3+$0x50] =	vst v38  }
0x289: {  	v39 =	vor.u32 v6, v9;
	v10 =	vld.idx.msk [tilespmem:v31+s16+$0x0], $0xffff;
	[tilespmem:s2+$0x40] =	vst v36  }
0x28a: {  	v46 =	vor.u32 v6, v11;
	v16 =	vld.idx.msk [tilespmem:v40+s16+$0x0], $0xffff;
	[tilespmem:s11+$0x40] =	vst v41  }
0x28b: {  	v49 =	vor.u32 v6, v13;
	[tilespmem:s28+$0x0] =	vst v42;
	v50 =	vld.idx.msk [tilespmem:v43+s16+$0x0], $0xffff  }
0x28c: {  	v52 =	vor.u32 v6, v14;
	v51 =	vld.idx.msk [tilespmem:v44+s16+$0x0], $0xffff;
	[tilespmem:s7+$0x40] =	vst v18  }
0x28d: {  	v53 =	vor.u32 v6, v12;
	[tilespmem:s14+$0x50] =	vst v19;
	v54 =	vld.idx.msk [tilespmem:v45+s16+$0x0], $0xffff  }
0x28e: {  	v55 =	vor.u32 v6, v15;
	[tilespmem:s5+$0x70] =	vst v10;
	v47 =	vld.idx.msk [tilespmem:v39+s16+$0x0], $0xffff  }
0x28f: {  	v48 =	vor.u32 v7, v9;
	v10 =	vld.idx.msk [tilespmem:v46+s16+$0x0], $0xffff;
	[tilespmem:s2+$0x50] =	vst v16  }
0x290: {  	v56 =	vor.u32 v7, v11;
	v16 =	vld.idx.msk [tilespmem:v49+s16+$0x0], $0xffff;
	[tilespmem:s11+$0x50] =	vst v50  }
0x291: {  	v57 =	vor.u32 v7, v13;
	[tilespmem:s28+$0x10] =	vst v51;
	v58 =	vld.idx.msk [tilespmem:v52+s16+$0x0], $0xffff  }
0x292: {  	v60 =	vor.u32 v7, v14;
	v59 =	vld.idx.msk [tilespmem:v53+s16+$0x0], $0xffff;
	[tilespmem:s7+$0x50] =	vst v54  }
0x293: {  	v61 =	vor.u32 v7, v12;
	[tilespmem:s3+$0x60] =	vst v47;
	v62 =	vld.idx.msk [tilespmem:v55+s16+$0x0], $0xffff  }
0x294: {  	v63 =	vor.u32 v7, v15;
	[tilespmem:s14+$0x60] =	vst v10;
	v9 =	vld.idx.msk [tilespmem:v48+s16+$0x0], $0xffff  }
0x295: {  	v11 =	vld.idx.msk [tilespmem:v56+s16+$0x0], $0xffff;
	[tilespmem:s2+$0x60] =	vst v16  }
0x296: {  	v13 =	vld.idx.msk [tilespmem:v57+s16+$0x0], $0xffff;
	[tilespmem:s11+$0x60] =	vst v58  }
0x297: {  	[tilespmem:s28+$0x20] =	vst v59;
	v14 =	vld.idx.msk [tilespmem:v60+s16+$0x0], $0xffff  }
0x298: {  	v10 =	vld.idx.msk [tilespmem:v61+s16+$0x0], $0xffff;
	[tilespmem:s7+$0x60] =	vst v62  }
0x299: {  	s29 =	sadd.s32 $0x1, s29;
	[tilespmem:s3+$0x70] =	vst v9;
	v8 =	vld.idx.msk [tilespmem:v63+s16+$0x0], $0xffff  }
0x29a: {  	p0 =	sne.s32 s29, $0x32;
	[tilespmem:s14+$0x70] =	vst v11  }
.Ltmp7:
0x29b: {  	s31 =	sshll.u32 s30, $0x11;
	[tilespmem:s2+$0x70] =	vst v13;
	(pc) =	sbr.rel @p0 .LBB2_2-.Ltmp7, $4  }
0x29c: {  	s0 =	sor.u32 s6, s31;
	[tilespmem:s11+$0x70] =	vst v14  }
0x29d: {  	s0 =	sshrl.u32 s0, $0x3;
	[tilespmem:s28+$0x30] =	vst v10  }
0x29e: {  	s21 =	simm.s32 $0x17400;
	s0 =	sadd.s32 s24, s0;
	[tilespmem:s7+$0x70] =	vst v8  }
0x29f: {  	[hbm4b:s0+s18] =	stream.strided.scatter [tilespmem:s21], [sflag:$0x6], $0x1000, s19, s18, $0x38;
	[tilespmem:$0x18400] =	vst v63  }
0x2a0: {  	_ =	swait.ge [sflag:s25], $0x1000  }
0x2a1: {  	[sflag:s25] =	ssyncset.done $0x0  }
0x2a2: {  	[sflag:s25] =	ssyncadd.s32 $0xFFFFF000  }
0x2a3: {  	_ =	swait.ge [sflag:s22], $0x1000  }
0x2a4: {  	s1 =	rddreg [dreg:$0x7]  }
0x2a5: {  	s0 =	rddreg [dreg:$0x6];
	s1 =	sadd.s32 $0x1, s1  }
0x2a6: {  	p0 =	sne.s32 s1, s0  }
.Ltmp8:
0x2a7: {  	_ = 	snop;
	(pc) =	sbr.rel @p0 .LBB2_1-.Ltmp8, $3  }
0x2a8: {  	_ =	sdelay $0x1  }
0x2a9: {  	[sflag:s22] =	ssyncset.done $0x0  }
0x2aa: {  	[sflag:s22] =	ssyncadd.s32 $0xFFFFF000  }
0x2ab: {  	_ =	sfence.sel $0x180000  }
0x2ac: {  	[bflag:$0x0] =	sbarrier.arrive $0xFFFF  }
0x2ad: {  	_ =	strace $0x90000047  }
0x2ae: {  	s0 =	stileid.u32;
	[bflag:$0x2] =	sbarrier.arrive $0xFFFF  }
0x2af: {  	p0 =	sne.s32 s0, $0x0;
	s0 =	rddreg [dreg:$0x2]  }
0x2b0: {  	s0 =	sadd.s32 @!p0 $0x100000, s0  }
0x2b1: {  	[sflag:s0] =	ssyncadd.tile.s32 @!p0 $0x1;
	_ =	shalt  }
.Lfunc_end2:
_tile_overlayer_lowered:
.L_overlay_start_2:
0x2b2: {  	(tag) =	ssettag $0x2  }
0x2b3: {  	s0 =	rddreg [dreg:$0x0];
	s2 =	stileid.u32  }
0x2b4: {  	s1 =	rddreg [dreg:$0x1];
	p0 =	sne.s32 s2, $0x0  }
0x2b5: {  	s3 =	rddreg [dreg:$0x2];
	[bflag:$0x3] =	sbarrier.arrive $0xFFFF;
	s2 =	simm.s32 @!p0 $0x1C07  }
0x2b6: {  	[timem:s3], [sflag:s2] =	dma.local @!p0 [hbm:s0], s1  }
0x2b7: {  	s0 =	simm.s32 @!p0 $0x7  }
0x2b8: {  	_ =	swait.ge @!p0 [sflag:s0], s1  }
0x2b9: {  	s1 =	ssub.s32 @!p0 $0x0, s1;
	[sflag:s0] =	ssyncset.done @!p0 $0x0  }
0x2ba: {  	[sflag:s0] =	ssyncadd.s32 @!p0 s1  }
0x2bb: {  	[bflag:$0x3] =	sbarrier.arrive $0xFFFF  }
0x2bc: {  	_ =	shalt  }

</sc_bundles>
